<compile_context>
chip_gen: v7x
topology: tpu7x:2x2x1
jax: 0.10.2.dev20260603
libtpu: 0.0.44.dev20260713+nightly
codegen_flags: <defaults>
</compile_context>

<pallas_src>
import functools

import jax
import jax.numpy as jnp
import numpy as np
from jax import lax
from jax.experimental import pallas as pl
from jax.experimental.pallas import tpu as pltpu
from jax.experimental.pallas import tpu_sc as plsc

_RATIO = 0.75

_NC = 2
_NS = 16
_NW = _NC * _NS


def _f_idx_jnp(T: int, B: int):
    base = jax.random.key(42)
    cols = [jax.random.permutation(jax.random.fold_in(base, j), T) for j in range(B)]
    return jnp.stack(cols, axis=-1)


@functools.lru_cache(maxsize=None)
def _host_indices(T: int, B: int):
    try:
        cpu = jax.devices("cpu")[0]
        with jax.default_device(cpu), jax.ensure_compile_time_eval():
            f_idx = _f_idx_jnp(T, B)
        return np.asarray(jax.device_get(f_idx))
    except Exception:
        return None


@functools.lru_cache(maxsize=None)
def _make_gather(keep: int, B: int, C: int, T: int, K: int):
    rows = keep * B
    nchunk_per_w = rows // (_NW * K)
    rpw = rows // _NW
    per_t = B // K
    nbuf = 5

    @functools.partial(
        pl.kernel,
        mesh=plsc.VectorSubcoreMesh(core_axis_name="c", subcore_axis_name="s"),
        out_type=jax.ShapeDtypeStruct((keep, B, C), jnp.float32),
        scratch_types=[
            pltpu.VMEM((nchunk_per_w, K), jnp.int32),
        ]
        + [pltpu.VMEM((K, C), jnp.float32)] * nbuf
        + [pltpu.SemaphoreType.DMA] * nbuf,
    )
    def gather_kernel(table, idxs, out, idx_v, *rest):
        bufs = rest[:nbuf]
        sems = rest[nbuf:]
        wid = lax.axis_index("s") * _NC + lax.axis_index("c")
        pltpu.sync_copy(idxs.at[wid], idx_v)
        cps = [None] * nbuf
        for j in range(min(nbuf - 1, nchunk_per_w)):
            cps[j] = pltpu.async_copy(table.at[idx_v.at[j]], bufs[j], sems[j])
        t0 = wid * (rpw // B)
        for j in range(nchunk_per_w):
            nj = j + nbuf - 1
            if nj < nchunk_per_w:
                p = nj % nbuf
                cps[p] = pltpu.async_copy(table.at[idx_v.at[nj]], bufs[p], sems[p])
            cps[j % nbuf].wait()
            pltpu.sync_copy(
                bufs[j % nbuf],
                out.at[t0 + j // per_t, pl.ds((j % per_t) * K, K)],
            )

    return gather_kernel


def kernel(pths):
    T, B, C = pths.shape
    keep = int(T * (1 - _RATIO))
    rows = keep * B
    K = 32

    fi = _host_indices(T, B)
    if fi is not None:
        flat = (fi[:keep].astype(np.int64) * B + np.arange(B)[None, :]).astype(
            np.int32
        )
        idxs = jnp.asarray(flat.reshape(_NW, rows // (_NW * K), K))
        f_idx = jnp.asarray(fi)
    else:
        f_idx = _f_idx_jnp(T, B)
        flat = f_idx[:keep] * B + jnp.arange(B, dtype=jnp.int32)[None, :]
        idxs = flat.reshape(_NW, rows // (_NW * K), K)

    table = pths.reshape(T * B, C)
    shuffled = _make_gather(keep, B, C, T, K)(table, idxs)
    return (shuffled, f_idx, f_idx)

# --- scband reference (transcript-rebuilt; emitter-appended) ---
"""Pipeline reference for scband-image-random-5050881540253 (READ-ONLY COPY).

The authoritative reference and input builder live on the scoring server;
editing this copy changes nothing except your own understanding.
"""

import jax, jax.numpy as jnp
import numpy as np

RATIO = 0.75


def setup_inputs(seed: int = 0) -> dict:
    key = jax.random.key(seed)
    pths = jax.random.normal(key, (1024, 64, 768), dtype=jnp.float32)
    return {"pths": pths}


def _make_indices(T, B):
    # Deterministic stand-in for np.random.shuffle per batch column.
    base = jax.random.key(42)
    cols = [jax.random.permutation(jax.random.fold_in(base, j), T) for j in range(B)]
    return jnp.stack(cols, axis=-1)  # [T, B] int


def reference(pths):
    T, B, C = pths.shape
    f_idx = _make_indices(T, B)
    # NOTE: original torch code builds b_idx from i[0] as well (bug), so b_idx == f_idx.
    b_idx = f_idx
    # take_indexes: gather along token dim with per-(token,batch) index, broadcast over channels
    idx_full = jnp.broadcast_to(f_idx[:, :, None], (T, B, C))
    shuffled = jnp.take_along_axis(pths, idx_full, axis=0)
    keep = int(T * (1 - RATIO))
    return (shuffled[:keep], f_idx, b_idx)

if __name__ == "__main__":
    import jax
    _d = setup_inputs()
    print(jax.jit(kernel)(*tuple(_d.values())))

</pallas_src>

<mosaic_0001>
#map = affine_map<(d0, d1) -> (0, 0)>
#map1 = affine_map<(d0, d1) -> (0, 0, 0)>
module attributes {stable_mosaic.version = 14 : i64} {
  func.func @gather_kernel(%arg0: i32, %arg1: i32, %arg2: memref<65536x768xf32, #tpu.memory_space<hbm>>, %arg3: memref<32x16x32xi32, #tpu.memory_space<hbm>>, %arg4: memref<256x64x768xf32, #tpu.memory_space<hbm>>, %arg5: memref<16x32xi32, #tpu.memory_space<vmem>>, %arg6: memref<32x768xf32, #tpu.memory_space<vmem>>, %arg7: memref<32x768xf32, #tpu.memory_space<vmem>>, %arg8: memref<32x768xf32, #tpu.memory_space<vmem>>, %arg9: memref<32x768xf32, #tpu.memory_space<vmem>>, %arg10: memref<32x768xf32, #tpu.memory_space<vmem>>, %arg11: memref<!tpu.dma_semaphore, #tpu.memory_space<semaphore_mem>>, %arg12: memref<!tpu.dma_semaphore, #tpu.memory_space<semaphore_mem>>, %arg13: memref<!tpu.dma_semaphore, #tpu.memory_space<semaphore_mem>>, %arg14: memref<!tpu.dma_semaphore, #tpu.memory_space<semaphore_mem>>, %arg15: memref<!tpu.dma_semaphore, #tpu.memory_space<semaphore_mem>>) attributes {dimension_semantics = [#tpu.dimension_semantics<core_parallel>, #tpu.dimension_semantics<subcore_parallel>], iteration_bounds = array<i64: 2, 16>, scalar_prefetch = 0 : i64, scratch_operands = 11 : i64, tpu.core_type = #tpu.core_type<sc_vector_subcore>, window_params = [{transform_indices = #map}, {transform_indices = #map1}, {transform_indices = #map1}]} {
    %mul3A = arith.constant 2 : i32
    %mul3A_0 = arith.muli %arg1, %mul3A : i32
    %add3A = arith.addi %mul3A_0, %arg0 : i32
    "tpu.region"() ({
      %run_scoped3A = tpu.sem_alloc : memref<!tpu.dma_semaphore, #tpu.memory_space<semaphore_mem>>
      %dma_start3A_257 = arith.constant 0 : i32
      %dma_start3A_258 = arith.constant 0 : i32
      %dma_start3A_259 = tpu.memref_slice %arg3[%add3A, %dma_start3A_257, %dma_start3A_258] : memref<32x16x32xi32, #tpu.memory_space<hbm>> -> memref<1x16x32xi32, #tpu.memory_space<hbm>>
      %dma_start3A_260 = tpu.memref_squeeze %dma_start3A_259 : memref<1x16x32xi32, #tpu.memory_space<hbm>> -> memref<16x32xi32, #tpu.memory_space<hbm>>
      %dma_start3A_261 = arith.constant 0 : i32
      %dma_start3A_262 = arith.constant 0 : i32
      %dma_start3A_263 = tpu.memref_slice %arg3[%add3A, %dma_start3A_261, %dma_start3A_262] : memref<32x16x32xi32, #tpu.memory_space<hbm>> -> memref<1x16x32xi32, #tpu.memory_space<hbm>>
      %dma_start3A_264 = tpu.memref_squeeze %dma_start3A_263 : memref<1x16x32xi32, #tpu.memory_space<hbm>> -> memref<16x32xi32, #tpu.memory_space<hbm>>
      tpu.enqueue_dma source(%dma_start3A_264 : memref<16x32xi32, #tpu.memory_space<hbm>>) target(%arg5 : memref<16x32xi32, #tpu.memory_space<vmem>>) target_semaphore(%run_scoped3A : memref<!tpu.dma_semaphore, #tpu.memory_space<semaphore_mem>>)
      %dma_wait3A_265 = arith.constant 0 : i32
      %dma_wait3A_266 = arith.constant 0 : i32
      %dma_wait3A_267 = tpu.memref_slice %arg3[%add3A, %dma_wait3A_265, %dma_wait3A_266] : memref<32x16x32xi32, #tpu.memory_space<hbm>> -> memref<1x16x32xi32, #tpu.memory_space<hbm>>
      %dma_wait3A_268 = tpu.memref_squeeze %dma_wait3A_267 : memref<1x16x32xi32, #tpu.memory_space<hbm>> -> memref<16x32xi32, #tpu.memory_space<hbm>>
      %dma_wait3A_269 = arith.constant 0 : i32
      %dma_wait3A_270 = arith.constant 0 : i32
      %dma_wait3A_271 = tpu.memref_slice %arg3[%add3A, %dma_wait3A_269, %dma_wait3A_270] : memref<32x16x32xi32, #tpu.memory_space<hbm>> -> memref<1x16x32xi32, #tpu.memory_space<hbm>>
      %dma_wait3A_272 = tpu.memref_squeeze %dma_wait3A_271 : memref<1x16x32xi32, #tpu.memory_space<hbm>> -> memref<16x32xi32, #tpu.memory_space<hbm>>
      tpu.wait_dma2 semaphore(%run_scoped3A : memref<!tpu.dma_semaphore, #tpu.memory_space<semaphore_mem>>) src(%dma_wait3A_272 : memref<16x32xi32, #tpu.memory_space<hbm>>) dst(%arg5 : memref<16x32xi32, #tpu.memory_space<vmem>>)
      tpu.yield
    }) : () -> ()
    %dma_start3A = arith.constant 0 : i32
    %dma_start3A_1 = arith.constant 0 : i32
    %dma_start3A_2 = tpu.memref_slice %arg5[%dma_start3A, %dma_start3A_1] : memref<16x32xi32, #tpu.memory_space<vmem>> -> memref<1x32xi32, #tpu.memory_space<vmem>>
    %dma_start3A_3 = tpu.memref_squeeze %dma_start3A_2 : memref<1x32xi32, #tpu.memory_space<vmem>> -> memref<32xi32, #tpu.memory_space<vmem>>
    %dma_start3A_4 = arith.constant 0 : i32
    %dma_start3A_5 = arith.constant 0 : i32
    %dma_start3A_6 = tpu.memref_slice %arg2[%dma_start3A_4, %dma_start3A_5] : memref<65536x768xf32, #tpu.memory_space<hbm>> -> memref<65536x768xf32, #tpu.memory_space<hbm>>
    tpu.enqueue_indirect_dma source(%dma_start3A_6 : memref<65536x768xf32, #tpu.memory_space<hbm>>) target(%arg6 : memref<32x768xf32, #tpu.memory_space<vmem>>) offsets(%dma_start3A_3 : memref<32xi32, #tpu.memory_space<vmem>>) semaphore(%arg11 : memref<!tpu.dma_semaphore, #tpu.memory_space<semaphore_mem>>)
    %dma_start3A_7 = arith.constant 1 : i32
    %dma_start3A_8 = arith.constant 0 : i32
    %dma_start3A_9 = tpu.memref_slice %arg5[%dma_start3A_7, %dma_start3A_8] : memref<16x32xi32, #tpu.memory_space<vmem>> -> memref<1x32xi32, #tpu.memory_space<vmem>>
    %dma_start3A_10 = tpu.memref_squeeze %dma_start3A_9 : memref<1x32xi32, #tpu.memory_space<vmem>> -> memref<32xi32, #tpu.memory_space<vmem>>
    %dma_start3A_11 = arith.constant 0 : i32
    %dma_start3A_12 = arith.constant 0 : i32
    %dma_start3A_13 = tpu.memref_slice %arg2[%dma_start3A_11, %dma_start3A_12] : memref<65536x768xf32, #tpu.memory_space<hbm>> -> memref<65536x768xf32, #tpu.memory_space<hbm>>
    tpu.enqueue_indirect_dma source(%dma_start3A_13 : memref<65536x768xf32, #tpu.memory_space<hbm>>) target(%arg7 : memref<32x768xf32, #tpu.memory_space<vmem>>) offsets(%dma_start3A_10 : memref<32xi32, #tpu.memory_space<vmem>>) semaphore(%arg12 : memref<!tpu.dma_semaphore, #tpu.memory_space<semaphore_mem>>)
    %dma_start3A_14 = arith.constant 2 : i32
    %dma_start3A_15 = arith.constant 0 : i32
    %dma_start3A_16 = tpu.memref_slice %arg5[%dma_start3A_14, %dma_start3A_15] : memref<16x32xi32, #tpu.memory_space<vmem>> -> memref<1x32xi32, #tpu.memory_space<vmem>>
    %dma_start3A_17 = tpu.memref_squeeze %dma_start3A_16 : memref<1x32xi32, #tpu.memory_space<vmem>> -> memref<32xi32, #tpu.memory_space<vmem>>
    %dma_start3A_18 = arith.constant 0 : i32
    %dma_start3A_19 = arith.constant 0 : i32
    %dma_start3A_20 = tpu.memref_slice %arg2[%dma_start3A_18, %dma_start3A_19] : memref<65536x768xf32, #tpu.memory_space<hbm>> -> memref<65536x768xf32, #tpu.memory_space<hbm>>
    tpu.enqueue_indirect_dma source(%dma_start3A_20 : memref<65536x768xf32, #tpu.memory_space<hbm>>) target(%arg8 : memref<32x768xf32, #tpu.memory_space<vmem>>) offsets(%dma_start3A_17 : memref<32xi32, #tpu.memory_space<vmem>>) semaphore(%arg13 : memref<!tpu.dma_semaphore, #tpu.memory_space<semaphore_mem>>)
    %dma_start3A_21 = arith.constant 3 : i32
    %dma_start3A_22 = arith.constant 0 : i32
    %dma_start3A_23 = tpu.memref_slice %arg5[%dma_start3A_21, %dma_start3A_22] : memref<16x32xi32, #tpu.memory_space<vmem>> -> memref<1x32xi32, #tpu.memory_space<vmem>>
    %dma_start3A_24 = tpu.memref_squeeze %dma_start3A_23 : memref<1x32xi32, #tpu.memory_space<vmem>> -> memref<32xi32, #tpu.memory_space<vmem>>
    %dma_start3A_25 = arith.constant 0 : i32
    %dma_start3A_26 = arith.constant 0 : i32
    %dma_start3A_27 = tpu.memref_slice %arg2[%dma_start3A_25, %dma_start3A_26] : memref<65536x768xf32, #tpu.memory_space<hbm>> -> memref<65536x768xf32, #tpu.memory_space<hbm>>
    tpu.enqueue_indirect_dma source(%dma_start3A_27 : memref<65536x768xf32, #tpu.memory_space<hbm>>) target(%arg9 : memref<32x768xf32, #tpu.memory_space<vmem>>) offsets(%dma_start3A_24 : memref<32xi32, #tpu.memory_space<vmem>>) semaphore(%arg14 : memref<!tpu.dma_semaphore, #tpu.memory_space<semaphore_mem>>)
    %mul3A_28 = arith.constant 8 : i32
    %mul3A_29 = arith.muli %add3A, %mul3A_28 : i32
    %dma_start3A_30 = arith.constant 4 : i32
    %dma_start3A_31 = arith.constant 0 : i32
    %dma_start3A_32 = tpu.memref_slice %arg5[%dma_start3A_30, %dma_start3A_31] : memref<16x32xi32, #tpu.memory_space<vmem>> -> memref<1x32xi32, #tpu.memory_space<vmem>>
    %dma_start3A_33 = tpu.memref_squeeze %dma_start3A_32 : memref<1x32xi32, #tpu.memory_space<vmem>> -> memref<32xi32, #tpu.memory_space<vmem>>
    %dma_start3A_34 = arith.constant 0 : i32
    %dma_start3A_35 = arith.constant 0 : i32
    %dma_start3A_36 = tpu.memref_slice %arg2[%dma_start3A_34, %dma_start3A_35] : memref<65536x768xf32, #tpu.memory_space<hbm>> -> memref<65536x768xf32, #tpu.memory_space<hbm>>
    tpu.enqueue_indirect_dma source(%dma_start3A_36 : memref<65536x768xf32, #tpu.memory_space<hbm>>) target(%arg10 : memref<32x768xf32, #tpu.memory_space<vmem>>) offsets(%dma_start3A_33 : memref<32xi32, #tpu.memory_space<vmem>>) semaphore(%arg15 : memref<!tpu.dma_semaphore, #tpu.memory_space<semaphore_mem>>)
    %dma_wait3A = arith.constant 0 : i32
    %dma_wait3A_37 = arith.constant 0 : i32
    %dma_wait3A_38 = tpu.memref_slice %arg5[%dma_wait3A, %dma_wait3A_37] : memref<16x32xi32, #tpu.memory_space<vmem>> -> memref<1x32xi32, #tpu.memory_space<vmem>>
    %dma_wait3A_39 = tpu.memref_squeeze %dma_wait3A_38 : memref<1x32xi32, #tpu.memory_space<vmem>> -> memref<32xi32, #tpu.memory_space<vmem>>
    %dma_wait3A_40 = arith.constant 0 : i32
    %dma_wait3A_41 = arith.constant 0 : i32
    %dma_wait3A_42 = tpu.memref_slice %arg2[%dma_wait3A_40, %dma_wait3A_41] : memref<65536x768xf32, #tpu.memory_space<hbm>> -> memref<65536x768xf32, #tpu.memory_space<hbm>>
    tpu.wait_indirect_dma semaphore(%arg11 : memref<!tpu.dma_semaphore, #tpu.memory_space<semaphore_mem>>) src(%dma_wait3A_42 : memref<65536x768xf32, #tpu.memory_space<hbm>>) dst(%arg6 : memref<32x768xf32, #tpu.memory_space<vmem>>)
    %add3A_43 = arith.constant 0 : i32
    %add3A_44 = arith.addi %mul3A_29, %add3A_43 : i32
    "tpu.region"() ({
      %run_scoped3A = tpu.sem_alloc : memref<!tpu.dma_semaphore, #tpu.memory_space<semaphore_mem>>
      %dma_start3A_257 = arith.constant 0 : i32
      %dma_start3A_258 = arith.constant 0 : i32
      %dma_start3A_259 = tpu.memref_slice %arg4[%add3A_44, %dma_start3A_257, %dma_start3A_258] : memref<256x64x768xf32, #tpu.memory_space<hbm>> -> memref<1x32x768xf32, #tpu.memory_space<hbm>>
      %dma_start3A_260 = tpu.memref_squeeze %dma_start3A_259 : memref<1x32x768xf32, #tpu.memory_space<hbm>> -> memref<32x768xf32, #tpu.memory_space<hbm>>
      %dma_start3A_261 = arith.constant 0 : i32
      %dma_start3A_262 = arith.constant 0 : i32
      %dma_start3A_263 = tpu.memref_slice %arg4[%add3A_44, %dma_start3A_261, %dma_start3A_262] : memref<256x64x768xf32, #tpu.memory_space<hbm>> -> memref<1x32x768xf32, #tpu.memory_space<hbm>>
      %dma_start3A_264 = tpu.memref_squeeze %dma_start3A_263 : memref<1x32x768xf32, #tpu.memory_space<hbm>> -> memref<32x768xf32, #tpu.memory_space<hbm>>
      tpu.enqueue_dma source(%arg6 : memref<32x768xf32, #tpu.memory_space<vmem>>) target(%dma_start3A_264 : memref<32x768xf32, #tpu.memory_space<hbm>>) target_semaphore(%run_scoped3A : memref<!tpu.dma_semaphore, #tpu.memory_space<semaphore_mem>>)
      %dma_wait3A_265 = arith.constant 0 : i32
      %dma_wait3A_266 = arith.constant 0 : i32
      %dma_wait3A_267 = tpu.memref_slice %arg4[%add3A_44, %dma_wait3A_265, %dma_wait3A_266] : memref<256x64x768xf32, #tpu.memory_space<hbm>> -> memref<1x32x768xf32, #tpu.memory_space<hbm>>
      %dma_wait3A_268 = tpu.memref_squeeze %dma_wait3A_267 : memref<1x32x768xf32, #tpu.memory_space<hbm>> -> memref<32x768xf32, #tpu.memory_space<hbm>>
      %dma_wait3A_269 = arith.constant 0 : i32
      %dma_wait3A_270 = arith.constant 0 : i32
      %dma_wait3A_271 = tpu.memref_slice %arg4[%add3A_44, %dma_wait3A_269, %dma_wait3A_270] : memref<256x64x768xf32, #tpu.memory_space<hbm>> -> memref<1x32x768xf32, #tpu.memory_space<hbm>>
      %dma_wait3A_272 = tpu.memref_squeeze %dma_wait3A_271 : memref<1x32x768xf32, #tpu.memory_space<hbm>> -> memref<32x768xf32, #tpu.memory_space<hbm>>
      tpu.wait_dma2 semaphore(%run_scoped3A : memref<!tpu.dma_semaphore, #tpu.memory_space<semaphore_mem>>) src(%arg6 : memref<32x768xf32, #tpu.memory_space<vmem>>) dst(%dma_wait3A_272 : memref<32x768xf32, #tpu.memory_space<hbm>>)
      tpu.yield
    }) : () -> ()
    %dma_start3A_45 = arith.constant 5 : i32
    %dma_start3A_46 = arith.constant 0 : i32
    %dma_start3A_47 = tpu.memref_slice %arg5[%dma_start3A_45, %dma_start3A_46] : memref<16x32xi32, #tpu.memory_space<vmem>> -> memref<1x32xi32, #tpu.memory_space<vmem>>
    %dma_start3A_48 = tpu.memref_squeeze %dma_start3A_47 : memref<1x32xi32, #tpu.memory_space<vmem>> -> memref<32xi32, #tpu.memory_space<vmem>>
    %dma_start3A_49 = arith.constant 0 : i32
    %dma_start3A_50 = arith.constant 0 : i32
    %dma_start3A_51 = tpu.memref_slice %arg2[%dma_start3A_49, %dma_start3A_50] : memref<65536x768xf32, #tpu.memory_space<hbm>> -> memref<65536x768xf32, #tpu.memory_space<hbm>>
    tpu.enqueue_indirect_dma source(%dma_start3A_51 : memref<65536x768xf32, #tpu.memory_space<hbm>>) target(%arg6 : memref<32x768xf32, #tpu.memory_space<vmem>>) offsets(%dma_start3A_48 : memref<32xi32, #tpu.memory_space<vmem>>) semaphore(%arg11 : memref<!tpu.dma_semaphore, #tpu.memory_space<semaphore_mem>>)
    %dma_wait3A_52 = arith.constant 1 : i32
    %dma_wait3A_53 = arith.constant 0 : i32
    %dma_wait3A_54 = tpu.memref_slice %arg5[%dma_wait3A_52, %dma_wait3A_53] : memref<16x32xi32, #tpu.memory_space<vmem>> -> memref<1x32xi32, #tpu.memory_space<vmem>>
    %dma_wait3A_55 = tpu.memref_squeeze %dma_wait3A_54 : memref<1x32xi32, #tpu.memory_space<vmem>> -> memref<32xi32, #tpu.memory_space<vmem>>
    %dma_wait3A_56 = arith.constant 0 : i32
    %dma_wait3A_57 = arith.constant 0 : i32
    %dma_wait3A_58 = tpu.memref_slice %arg2[%dma_wait3A_56, %dma_wait3A_57] : memref<65536x768xf32, #tpu.memory_space<hbm>> -> memref<65536x768xf32, #tpu.memory_space<hbm>>
    tpu.wait_indirect_dma semaphore(%arg12 : memref<!tpu.dma_semaphore, #tpu.memory_space<semaphore_mem>>) src(%dma_wait3A_58 : memref<65536x768xf32, #tpu.memory_space<hbm>>) dst(%arg7 : memref<32x768xf32, #tpu.memory_space<vmem>>)
    %add3A_59 = arith.constant 0 : i32
    %add3A_60 = arith.addi %mul3A_29, %add3A_59 : i32
    "tpu.region"() ({
      %run_scoped3A = tpu.sem_alloc : memref<!tpu.dma_semaphore, #tpu.memory_space<semaphore_mem>>
      %dma_start3A_257 = arith.constant 32 : i32
      %dma_start3A_258 = arith.constant 0 : i32
      %dma_start3A_259 = tpu.memref_slice %arg4[%add3A_60, %dma_start3A_257, %dma_start3A_258] : memref<256x64x768xf32, #tpu.memory_space<hbm>> -> memref<1x32x768xf32, #tpu.memory_space<hbm>>
      %dma_start3A_260 = tpu.memref_squeeze %dma_start3A_259 : memref<1x32x768xf32, #tpu.memory_space<hbm>> -> memref<32x768xf32, #tpu.memory_space<hbm>>
      %dma_start3A_261 = arith.constant 32 : i32
      %dma_start3A_262 = arith.constant 0 : i32
      %dma_start3A_263 = tpu.memref_slice %arg4[%add3A_60, %dma_start3A_261, %dma_start3A_262] : memref<256x64x768xf32, #tpu.memory_space<hbm>> -> memref<1x32x768xf32, #tpu.memory_space<hbm>>
      %dma_start3A_264 = tpu.memref_squeeze %dma_start3A_263 : memref<1x32x768xf32, #tpu.memory_space<hbm>> -> memref<32x768xf32, #tpu.memory_space<hbm>>
      tpu.enqueue_dma source(%arg7 : memref<32x768xf32, #tpu.memory_space<vmem>>) target(%dma_start3A_264 : memref<32x768xf32, #tpu.memory_space<hbm>>) target_semaphore(%run_scoped3A : memref<!tpu.dma_semaphore, #tpu.memory_space<semaphore_mem>>)
      %dma_wait3A_265 = arith.constant 32 : i32
      %dma_wait3A_266 = arith.constant 0 : i32
      %dma_wait3A_267 = tpu.memref_slice %arg4[%add3A_60, %dma_wait3A_265, %dma_wait3A_266] : memref<256x64x768xf32, #tpu.memory_space<hbm>> -> memref<1x32x768xf32, #tpu.memory_space<hbm>>
      %dma_wait3A_268 = tpu.memref_squeeze %dma_wait3A_267 : memref<1x32x768xf32, #tpu.memory_space<hbm>> -> memref<32x768xf32, #tpu.memory_space<hbm>>
      %dma_wait3A_269 = arith.constant 32 : i32
      %dma_wait3A_270 = arith.constant 0 : i32
      %dma_wait3A_271 = tpu.memref_slice %arg4[%add3A_60, %dma_wait3A_269, %dma_wait3A_270] : memref<256x64x768xf32, #tpu.memory_space<hbm>> -> memref<1x32x768xf32, #tpu.memory_space<hbm>>
      %dma_wait3A_272 = tpu.memref_squeeze %dma_wait3A_271 : memref<1x32x768xf32, #tpu.memory_space<hbm>> -> memref<32x768xf32, #tpu.memory_space<hbm>>
      tpu.wait_dma2 semaphore(%run_scoped3A : memref<!tpu.dma_semaphore, #tpu.memory_space<semaphore_mem>>) src(%arg7 : memref<32x768xf32, #tpu.memory_space<vmem>>) dst(%dma_wait3A_272 : memref<32x768xf32, #tpu.memory_space<hbm>>)
      tpu.yield
    }) : () -> ()
    %dma_start3A_61 = arith.constant 6 : i32
    %dma_start3A_62 = arith.constant 0 : i32
    %dma_start3A_63 = tpu.memref_slice %arg5[%dma_start3A_61, %dma_start3A_62] : memref<16x32xi32, #tpu.memory_space<vmem>> -> memref<1x32xi32, #tpu.memory_space<vmem>>
    %dma_start3A_64 = tpu.memref_squeeze %dma_start3A_63 : memref<1x32xi32, #tpu.memory_space<vmem>> -> memref<32xi32, #tpu.memory_space<vmem>>
    %dma_start3A_65 = arith.constant 0 : i32
    %dma_start3A_66 = arith.constant 0 : i32
    %dma_start3A_67 = tpu.memref_slice %arg2[%dma_start3A_65, %dma_start3A_66] : memref<65536x768xf32, #tpu.memory_space<hbm>> -> memref<65536x768xf32, #tpu.memory_space<hbm>>
    tpu.enqueue_indirect_dma source(%dma_start3A_67 : memref<65536x768xf32, #tpu.memory_space<hbm>>) target(%arg7 : memref<32x768xf32, #tpu.memory_space<vmem>>) offsets(%dma_start3A_64 : memref<32xi32, #tpu.memory_space<vmem>>) semaphore(%arg12 : memref<!tpu.dma_semaphore, #tpu.memory_space<semaphore_mem>>)
    %dma_wait3A_68 = arith.constant 2 : i32
    %dma_wait3A_69 = arith.constant 0 : i32
    %dma_wait3A_70 = tpu.memref_slice %arg5[%dma_wait3A_68, %dma_wait3A_69] : memref<16x32xi32, #tpu.memory_space<vmem>> -> memref<1x32xi32, #tpu.memory_space<vmem>>
    %dma_wait3A_71 = tpu.memref_squeeze %dma_wait3A_70 : memref<1x32xi32, #tpu.memory_space<vmem>> -> memref<32xi32, #tpu.memory_space<vmem>>
    %dma_wait3A_72 = arith.constant 0 : i32
    %dma_wait3A_73 = arith.constant 0 : i32
    %dma_wait3A_74 = tpu.memref_slice %arg2[%dma_wait3A_72, %dma_wait3A_73] : memref<65536x768xf32, #tpu.memory_space<hbm>> -> memref<65536x768xf32, #tpu.memory_space<hbm>>
    tpu.wait_indirect_dma semaphore(%arg13 : memref<!tpu.dma_semaphore, #tpu.memory_space<semaphore_mem>>) src(%dma_wait3A_74 : memref<65536x768xf32, #tpu.memory_space<hbm>>) dst(%arg8 : memref<32x768xf32, #tpu.memory_space<vmem>>)
    %add3A_75 = arith.constant 1 : i32
    %add3A_76 = arith.addi %mul3A_29, %add3A_75 : i32
    "tpu.region"() ({
      %run_scoped3A = tpu.sem_alloc : memref<!tpu.dma_semaphore, #tpu.memory_space<semaphore_mem>>
      %dma_start3A_257 = arith.constant 0 : i32
      %dma_start3A_258 = arith.constant 0 : i32
      %dma_start3A_259 = tpu.memref_slice %arg4[%add3A_76, %dma_start3A_257, %dma_start3A_258] : memref<256x64x768xf32, #tpu.memory_space<hbm>> -> memref<1x32x768xf32, #tpu.memory_space<hbm>>
      %dma_start3A_260 = tpu.memref_squeeze %dma_start3A_259 : memref<1x32x768xf32, #tpu.memory_space<hbm>> -> memref<32x768xf32, #tpu.memory_space<hbm>>
      %dma_start3A_261 = arith.constant 0 : i32
      %dma_start3A_262 = arith.constant 0 : i32
      %dma_start3A_263 = tpu.memref_slice %arg4[%add3A_76, %dma_start3A_261, %dma_start3A_262] : memref<256x64x768xf32, #tpu.memory_space<hbm>> -> memref<1x32x768xf32, #tpu.memory_space<hbm>>
      %dma_start3A_264 = tpu.memref_squeeze %dma_start3A_263 : memref<1x32x768xf32, #tpu.memory_space<hbm>> -> memref<32x768xf32, #tpu.memory_space<hbm>>
      tpu.enqueue_dma source(%arg8 : memref<32x768xf32, #tpu.memory_space<vmem>>) target(%dma_start3A_264 : memref<32x768xf32, #tpu.memory_space<hbm>>) target_semaphore(%run_scoped3A : memref<!tpu.dma_semaphore, #tpu.memory_space<semaphore_mem>>)
      %dma_wait3A_265 = arith.constant 0 : i32
      %dma_wait3A_266 = arith.constant 0 : i32
      %dma_wait3A_267 = tpu.memref_slice %arg4[%add3A_76, %dma_wait3A_265, %dma_wait3A_266] : memref<256x64x768xf32, #tpu.memory_space<hbm>> -> memref<1x32x768xf32, #tpu.memory_space<hbm>>
      %dma_wait3A_268 = tpu.memref_squeeze %dma_wait3A_267 : memref<1x32x768xf32, #tpu.memory_space<hbm>> -> memref<32x768xf32, #tpu.memory_space<hbm>>
      %dma_wait3A_269 = arith.constant 0 : i32
      %dma_wait3A_270 = arith.constant 0 : i32
      %dma_wait3A_271 = tpu.memref_slice %arg4[%add3A_76, %dma_wait3A_269, %dma_wait3A_270] : memref<256x64x768xf32, #tpu.memory_space<hbm>> -> memref<1x32x768xf32, #tpu.memory_space<hbm>>
      %dma_wait3A_272 = tpu.memref_squeeze %dma_wait3A_271 : memref<1x32x768xf32, #tpu.memory_space<hbm>> -> memref<32x768xf32, #tpu.memory_space<hbm>>
      tpu.wait_dma2 semaphore(%run_scoped3A : memref<!tpu.dma_semaphore, #tpu.memory_space<semaphore_mem>>) src(%arg8 : memref<32x768xf32, #tpu.memory_space<vmem>>) dst(%dma_wait3A_272 : memref<32x768xf32, #tpu.memory_space<hbm>>)
      tpu.yield
    }) : () -> ()
    %dma_start3A_77 = arith.constant 7 : i32
    %dma_start3A_78 = arith.constant 0 : i32
    %dma_start3A_79 = tpu.memref_slice %arg5[%dma_start3A_77, %dma_start3A_78] : memref<16x32xi32, #tpu.memory_space<vmem>> -> memref<1x32xi32, #tpu.memory_space<vmem>>
    %dma_start3A_80 = tpu.memref_squeeze %dma_start3A_79 : memref<1x32xi32, #tpu.memory_space<vmem>> -> memref<32xi32, #tpu.memory_space<vmem>>
    %dma_start3A_81 = arith.constant 0 : i32
    %dma_start3A_82 = arith.constant 0 : i32
    %dma_start3A_83 = tpu.memref_slice %arg2[%dma_start3A_81, %dma_start3A_82] : memref<65536x768xf32, #tpu.memory_space<hbm>> -> memref<65536x768xf32, #tpu.memory_space<hbm>>
    tpu.enqueue_indirect_dma source(%dma_start3A_83 : memref<65536x768xf32, #tpu.memory_space<hbm>>) target(%arg8 : memref<32x768xf32, #tpu.memory_space<vmem>>) offsets(%dma_start3A_80 : memref<32xi32, #tpu.memory_space<vmem>>) semaphore(%arg13 : memref<!tpu.dma_semaphore, #tpu.memory_space<semaphore_mem>>)
    %dma_wait3A_84 = arith.constant 3 : i32
    %dma_wait3A_85 = arith.constant 0 : i32
    %dma_wait3A_86 = tpu.memref_slice %arg5[%dma_wait3A_84, %dma_wait3A_85] : memref<16x32xi32, #tpu.memory_space<vmem>> -> memref<1x32xi32, #tpu.memory_space<vmem>>
    %dma_wait3A_87 = tpu.memref_squeeze %dma_wait3A_86 : memref<1x32xi32, #tpu.memory_space<vmem>> -> memref<32xi32, #tpu.memory_space<vmem>>
    %dma_wait3A_88 = arith.constant 0 : i32
    %dma_wait3A_89 = arith.constant 0 : i32
    %dma_wait3A_90 = tpu.memref_slice %arg2[%dma_wait3A_88, %dma_wait3A_89] : memref<65536x768xf32, #tpu.memory_space<hbm>> -> memref<65536x768xf32, #tpu.memory_space<hbm>>
    tpu.wait_indirect_dma semaphore(%arg14 : memref<!tpu.dma_semaphore, #tpu.memory_space<semaphore_mem>>) src(%dma_wait3A_90 : memref<65536x768xf32, #tpu.memory_space<hbm>>) dst(%arg9 : memref<32x768xf32, #tpu.memory_space<vmem>>)
    %add3A_91 = arith.constant 1 : i32
    %add3A_92 = arith.addi %mul3A_29, %add3A_91 : i32
    "tpu.region"() ({
      %run_scoped3A = tpu.sem_alloc : memref<!tpu.dma_semaphore, #tpu.memory_space<semaphore_mem>>
      %dma_start3A_257 = arith.constant 32 : i32
      %dma_start3A_258 = arith.constant 0 : i32
      %dma_start3A_259 = tpu.memref_slice %arg4[%add3A_92, %dma_start3A_257, %dma_start3A_258] : memref<256x64x768xf32, #tpu.memory_space<hbm>> -> memref<1x32x768xf32, #tpu.memory_space<hbm>>
      %dma_start3A_260 = tpu.memref_squeeze %dma_start3A_259 : memref<1x32x768xf32, #tpu.memory_space<hbm>> -> memref<32x768xf32, #tpu.memory_space<hbm>>
      %dma_start3A_261 = arith.constant 32 : i32
      %dma_start3A_262 = arith.constant 0 : i32
      %dma_start3A_263 = tpu.memref_slice %arg4[%add3A_92, %dma_start3A_261, %dma_start3A_262] : memref<256x64x768xf32, #tpu.memory_space<hbm>> -> memref<1x32x768xf32, #tpu.memory_space<hbm>>
      %dma_start3A_264 = tpu.memref_squeeze %dma_start3A_263 : memref<1x32x768xf32, #tpu.memory_space<hbm>> -> memref<32x768xf32, #tpu.memory_space<hbm>>
      tpu.enqueue_dma source(%arg9 : memref<32x768xf32, #tpu.memory_space<vmem>>) target(%dma_start3A_264 : memref<32x768xf32, #tpu.memory_space<hbm>>) target_semaphore(%run_scoped3A : memref<!tpu.dma_semaphore, #tpu.memory_space<semaphore_mem>>)
      %dma_wait3A_265 = arith.constant 32 : i32
      %dma_wait3A_266 = arith.constant 0 : i32
      %dma_wait3A_267 = tpu.memref_slice %arg4[%add3A_92, %dma_wait3A_265, %dma_wait3A_266] : memref<256x64x768xf32, #tpu.memory_space<hbm>> -> memref<1x32x768xf32, #tpu.memory_space<hbm>>
      %dma_wait3A_268 = tpu.memref_squeeze %dma_wait3A_267 : memref<1x32x768xf32, #tpu.memory_space<hbm>> -> memref<32x768xf32, #tpu.memory_space<hbm>>
      %dma_wait3A_269 = arith.constant 32 : i32
      %dma_wait3A_270 = arith.constant 0 : i32
      %dma_wait3A_271 = tpu.memref_slice %arg4[%add3A_92, %dma_wait3A_269, %dma_wait3A_270] : memref<256x64x768xf32, #tpu.memory_space<hbm>> -> memref<1x32x768xf32, #tpu.memory_space<hbm>>
      %dma_wait3A_272 = tpu.memref_squeeze %dma_wait3A_271 : memref<1x32x768xf32, #tpu.memory_space<hbm>> -> memref<32x768xf32, #tpu.memory_space<hbm>>
      tpu.wait_dma2 semaphore(%run_scoped3A : memref<!tpu.dma_semaphore, #tpu.memory_space<semaphore_mem>>) src(%arg9 : memref<32x768xf32, #tpu.memory_space<vmem>>) dst(%dma_wait3A_272 : memref<32x768xf32, #tpu.memory_space<hbm>>)
      tpu.yield
    }) : () -> ()
    %dma_start3A_93 = arith.constant 8 : i32
    %dma_start3A_94 = arith.constant 0 : i32
    %dma_start3A_95 = tpu.memref_slice %arg5[%dma_start3A_93, %dma_start3A_94] : memref<16x32xi32, #tpu.memory_space<vmem>> -> memref<1x32xi32, #tpu.memory_space<vmem>>
    %dma_start3A_96 = tpu.memref_squeeze %dma_start3A_95 : memref<1x32xi32, #tpu.memory_space<vmem>> -> memref<32xi32, #tpu.memory_space<vmem>>
    %dma_start3A_97 = arith.constant 0 : i32
    %dma_start3A_98 = arith.constant 0 : i32
    %dma_start3A_99 = tpu.memref_slice %arg2[%dma_start3A_97, %dma_start3A_98] : memref<65536x768xf32, #tpu.memory_space<hbm>> -> memref<65536x768xf32, #tpu.memory_space<hbm>>
    tpu.enqueue_indirect_dma source(%dma_start3A_99 : memref<65536x768xf32, #tpu.memory_space<hbm>>) target(%arg9 : memref<32x768xf32, #tpu.memory_space<vmem>>) offsets(%dma_start3A_96 : memref<32xi32, #tpu.memory_space<vmem>>) semaphore(%arg14 : memref<!tpu.dma_semaphore, #tpu.memory_space<semaphore_mem>>)
    %dma_wait3A_100 = arith.constant 4 : i32
    %dma_wait3A_101 = arith.constant 0 : i32
    %dma_wait3A_102 = tpu.memref_slice %arg5[%dma_wait3A_100, %dma_wait3A_101] : memref<16x32xi32, #tpu.memory_space<vmem>> -> memref<1x32xi32, #tpu.memory_space<vmem>>
    %dma_wait3A_103 = tpu.memref_squeeze %dma_wait3A_102 : memref<1x32xi32, #tpu.memory_space<vmem>> -> memref<32xi32, #tpu.memory_space<vmem>>
    %dma_wait3A_104 = arith.constant 0 : i32
    %dma_wait3A_105 = arith.constant 0 : i32
    %dma_wait3A_106 = tpu.memref_slice %arg2[%dma_wait3A_104, %dma_wait3A_105] : memref<65536x768xf32, #tpu.memory_space<hbm>> -> memref<65536x768xf32, #tpu.memory_space<hbm>>
    tpu.wait_indirect_dma semaphore(%arg15 : memref<!tpu.dma_semaphore, #tpu.memory_space<semaphore_mem>>) src(%dma_wait3A_106 : memref<65536x768xf32, #tpu.memory_space<hbm>>) dst(%arg10 : memref<32x768xf32, #tpu.memory_space<vmem>>)
    %add3A_107 = arith.constant 2 : i32
    %add3A_108 = arith.addi %mul3A_29, %add3A_107 : i32
    "tpu.region"() ({
      %run_scoped3A = tpu.sem_alloc : memref<!tpu.dma_semaphore, #tpu.memory_space<semaphore_mem>>
      %dma_start3A_257 = arith.constant 0 : i32
      %dma_start3A_258 = arith.constant 0 : i32
      %dma_start3A_259 = tpu.memref_slice %arg4[%add3A_108, %dma_start3A_257, %dma_start3A_258] : memref<256x64x768xf32, #tpu.memory_space<hbm>> -> memref<1x32x768xf32, #tpu.memory_space<hbm>>
      %dma_start3A_260 = tpu.memref_squeeze %dma_start3A_259 : memref<1x32x768xf32, #tpu.memory_space<hbm>> -> memref<32x768xf32, #tpu.memory_space<hbm>>
      %dma_start3A_261 = arith.constant 0 : i32
      %dma_start3A_262 = arith.constant 0 : i32
      %dma_start3A_263 = tpu.memref_slice %arg4[%add3A_108, %dma_start3A_261, %dma_start3A_262] : memref<256x64x768xf32, #tpu.memory_space<hbm>> -> memref<1x32x768xf32, #tpu.memory_space<hbm>>
      %dma_start3A_264 = tpu.memref_squeeze %dma_start3A_263 : memref<1x32x768xf32, #tpu.memory_space<hbm>> -> memref<32x768xf32, #tpu.memory_space<hbm>>
      tpu.enqueue_dma source(%arg10 : memref<32x768xf32, #tpu.memory_space<vmem>>) target(%dma_start3A_264 : memref<32x768xf32, #tpu.memory_space<hbm>>) target_semaphore(%run_scoped3A : memref<!tpu.dma_semaphore, #tpu.memory_space<semaphore_mem>>)
      %dma_wait3A_265 = arith.constant 0 : i32
      %dma_wait3A_266 = arith.constant 0 : i32
      %dma_wait3A_267 = tpu.memref_slice %arg4[%add3A_108, %dma_wait3A_265, %dma_wait3A_266] : memref<256x64x768xf32, #tpu.memory_space<hbm>> -> memref<1x32x768xf32, #tpu.memory_space<hbm>>
      %dma_wait3A_268 = tpu.memref_squeeze %dma_wait3A_267 : memref<1x32x768xf32, #tpu.memory_space<hbm>> -> memref<32x768xf32, #tpu.memory_space<hbm>>
      %dma_wait3A_269 = arith.constant 0 : i32
      %dma_wait3A_270 = arith.constant 0 : i32
      %dma_wait3A_271 = tpu.memref_slice %arg4[%add3A_108, %dma_wait3A_269, %dma_wait3A_270] : memref<256x64x768xf32, #tpu.memory_space<hbm>> -> memref<1x32x768xf32, #tpu.memory_space<hbm>>
      %dma_wait3A_272 = tpu.memref_squeeze %dma_wait3A_271 : memref<1x32x768xf32, #tpu.memory_space<hbm>> -> memref<32x768xf32, #tpu.memory_space<hbm>>
      tpu.wait_dma2 semaphore(%run_scoped3A : memref<!tpu.dma_semaphore, #tpu.memory_space<semaphore_mem>>) src(%arg10 : memref<32x768xf32, #tpu.memory_space<vmem>>) dst(%dma_wait3A_272 : memref<32x768xf32, #tpu.memory_space<hbm>>)
      tpu.yield
    }) : () -> ()
    %dma_start3A_109 = arith.constant 9 : i32
    %dma_start3A_110 = arith.constant 0 : i32
    %dma_start3A_111 = tpu.memref_slice %arg5[%dma_start3A_109, %dma_start3A_110] : memref<16x32xi32, #tpu.memory_space<vmem>> -> memref<1x32xi32, #tpu.memory_space<vmem>>
    %dma_start3A_112 = tpu.memref_squeeze %dma_start3A_111 : memref<1x32xi32, #tpu.memory_space<vmem>> -> memref<32xi32, #tpu.memory_space<vmem>>
    %dma_start3A_113 = arith.constant 0 : i32
    %dma_start3A_114 = arith.constant 0 : i32
    %dma_start3A_115 = tpu.memref_slice %arg2[%dma_start3A_113, %dma_start3A_114] : memref<65536x768xf32, #tpu.memory_space<hbm>> -> memref<65536x768xf32, #tpu.memory_space<hbm>>
    tpu.enqueue_indirect_dma source(%dma_start3A_115 : memref<65536x768xf32, #tpu.memory_space<hbm>>) target(%arg10 : memref<32x768xf32, #tpu.memory_space<vmem>>) offsets(%dma_start3A_112 : memref<32xi32, #tpu.memory_space<vmem>>) semaphore(%arg15 : memref<!tpu.dma_semaphore, #tpu.memory_space<semaphore_mem>>)
    %dma_wait3A_116 = arith.constant 5 : i32
    %dma_wait3A_117 = arith.constant 0 : i32
    %dma_wait3A_118 = tpu.memref_slice %arg5[%dma_wait3A_116, %dma_wait3A_117] : memref<16x32xi32, #tpu.memory_space<vmem>> -> memref<1x32xi32, #tpu.memory_space<vmem>>
    %dma_wait3A_119 = tpu.memref_squeeze %dma_wait3A_118 : memref<1x32xi32, #tpu.memory_space<vmem>> -> memref<32xi32, #tpu.memory_space<vmem>>
    %dma_wait3A_120 = arith.constant 0 : i32
    %dma_wait3A_121 = arith.constant 0 : i32
    %dma_wait3A_122 = tpu.memref_slice %arg2[%dma_wait3A_120, %dma_wait3A_121] : memref<65536x768xf32, #tpu.memory_space<hbm>> -> memref<65536x768xf32, #tpu.memory_space<hbm>>
    tpu.wait_indirect_dma semaphore(%arg11 : memref<!tpu.dma_semaphore, #tpu.memory_space<semaphore_mem>>) src(%dma_wait3A_122 : memref<65536x768xf32, #tpu.memory_space<hbm>>) dst(%arg6 : memref<32x768xf32, #tpu.memory_space<vmem>>)
    %add3A_123 = arith.constant 2 : i32
    %add3A_124 = arith.addi %mul3A_29, %add3A_123 : i32
    "tpu.region"() ({
      %run_scoped3A = tpu.sem_alloc : memref<!tpu.dma_semaphore, #tpu.memory_space<semaphore_mem>>
      %dma_start3A_257 = arith.constant 32 : i32
      %dma_start3A_258 = arith.constant 0 : i32
      %dma_start3A_259 = tpu.memref_slice %arg4[%add3A_124, %dma_start3A_257, %dma_start3A_258] : memref<256x64x768xf32, #tpu.memory_space<hbm>> -> memref<1x32x768xf32, #tpu.memory_space<hbm>>
      %dma_start3A_260 = tpu.memref_squeeze %dma_start3A_259 : memref<1x32x768xf32, #tpu.memory_space<hbm>> -> memref<32x768xf32, #tpu.memory_space<hbm>>
      %dma_start3A_261 = arith.constant 32 : i32
      %dma_start3A_262 = arith.constant 0 : i32
      %dma_start3A_263 = tpu.memref_slice %arg4[%add3A_124, %dma_start3A_261, %dma_start3A_262] : memref<256x64x768xf32, #tpu.memory_space<hbm>> -> memref<1x32x768xf32, #tpu.memory_space<hbm>>
      %dma_start3A_264 = tpu.memref_squeeze %dma_start3A_263 : memref<1x32x768xf32, #tpu.memory_space<hbm>> -> memref<32x768xf32, #tpu.memory_space<hbm>>
      tpu.enqueue_dma source(%arg6 : memref<32x768xf32, #tpu.memory_space<vmem>>) target(%dma_start3A_264 : memref<32x768xf32, #tpu.memory_space<hbm>>) target_semaphore(%run_scoped3A : memref<!tpu.dma_semaphore, #tpu.memory_space<semaphore_mem>>)
      %dma_wait3A_265 = arith.constant 32 : i32
      %dma_wait3A_266 = arith.constant 0 : i32
      %dma_wait3A_267 = tpu.memref_slice %arg4[%add3A_124, %dma_wait3A_265, %dma_wait3A_266] : memref<256x64x768xf32, #tpu.memory_space<hbm>> -> memref<1x32x768xf32, #tpu.memory_space<hbm>>
      %dma_wait3A_268 = tpu.memref_squeeze %dma_wait3A_267 : memref<1x32x768xf32, #tpu.memory_space<hbm>> -> memref<32x768xf32, #tpu.memory_space<hbm>>
      %dma_wait3A_269 = arith.constant 32 : i32
      %dma_wait3A_270 = arith.constant 0 : i32
      %dma_wait3A_271 = tpu.memref_slice %arg4[%add3A_124, %dma_wait3A_269, %dma_wait3A_270] : memref<256x64x768xf32, #tpu.memory_space<hbm>> -> memref<1x32x768xf32, #tpu.memory_space<hbm>>
      %dma_wait3A_272 = tpu.memref_squeeze %dma_wait3A_271 : memref<1x32x768xf32, #tpu.memory_space<hbm>> -> memref<32x768xf32, #tpu.memory_space<hbm>>
      tpu.wait_dma2 semaphore(%run_scoped3A : memref<!tpu.dma_semaphore, #tpu.memory_space<semaphore_mem>>) src(%arg6 : memref<32x768xf32, #tpu.memory_space<vmem>>) dst(%dma_wait3A_272 : memref<32x768xf32, #tpu.memory_space<hbm>>)
      tpu.yield
    }) : () -> ()
    %dma_start3A_125 = arith.constant 10 : i32
    %dma_start3A_126 = arith.constant 0 : i32
    %dma_start3A_127 = tpu.memref_slice %arg5[%dma_start3A_125, %dma_start3A_126] : memref<16x32xi32, #tpu.memory_space<vmem>> -> memref<1x32xi32, #tpu.memory_space<vmem>>
    %dma_start3A_128 = tpu.memref_squeeze %dma_start3A_127 : memref<1x32xi32, #tpu.memory_space<vmem>> -> memref<32xi32, #tpu.memory_space<vmem>>
    %dma_start3A_129 = arith.constant 0 : i32
    %dma_start3A_130 = arith.constant 0 : i32
    %dma_start3A_131 = tpu.memref_slice %arg2[%dma_start3A_129, %dma_start3A_130] : memref<65536x768xf32, #tpu.memory_space<hbm>> -> memref<65536x768xf32, #tpu.memory_space<hbm>>
    tpu.enqueue_indirect_dma source(%dma_start3A_131 : memref<65536x768xf32, #tpu.memory_space<hbm>>) target(%arg6 : memref<32x768xf32, #tpu.memory_space<vmem>>) offsets(%dma_start3A_128 : memref<32xi32, #tpu.memory_space<vmem>>) semaphore(%arg11 : memref<!tpu.dma_semaphore, #tpu.memory_space<semaphore_mem>>)
    %dma_wait3A_132 = arith.constant 6 : i32
    %dma_wait3A_133 = arith.constant 0 : i32
    %dma_wait3A_134 = tpu.memref_slice %arg5[%dma_wait3A_132, %dma_wait3A_133] : memref<16x32xi32, #tpu.memory_space<vmem>> -> memref<1x32xi32, #tpu.memory_space<vmem>>
    %dma_wait3A_135 = tpu.memref_squeeze %dma_wait3A_134 : memref<1x32xi32, #tpu.memory_space<vmem>> -> memref<32xi32, #tpu.memory_space<vmem>>
    %dma_wait3A_136 = arith.constant 0 : i32
    %dma_wait3A_137 = arith.constant 0 : i32
    %dma_wait3A_138 = tpu.memref_slice %arg2[%dma_wait3A_136, %dma_wait3A_137] : memref<65536x768xf32, #tpu.memory_space<hbm>> -> memref<65536x768xf32, #tpu.memory_space<hbm>>
    tpu.wait_indirect_dma semaphore(%arg12 : memref<!tpu.dma_semaphore, #tpu.memory_space<semaphore_mem>>) src(%dma_wait3A_138 : memref<65536x768xf32, #tpu.memory_space<hbm>>) dst(%arg7 : memref<32x768xf32, #tpu.memory_space<vmem>>)
    %add3A_139 = arith.constant 3 : i32
    %add3A_140 = arith.addi %mul3A_29, %add3A_139 : i32
    "tpu.region"() ({
      %run_scoped3A = tpu.sem_alloc : memref<!tpu.dma_semaphore, #tpu.memory_space<semaphore_mem>>
      %dma_start3A_257 = arith.constant 0 : i32
      %dma_start3A_258 = arith.constant 0 : i32
      %dma_start3A_259 = tpu.memref_slice %arg4[%add3A_140, %dma_start3A_257, %dma_start3A_258] : memref<256x64x768xf32, #tpu.memory_space<hbm>> -> memref<1x32x768xf32, #tpu.memory_space<hbm>>
      %dma_start3A_260 = tpu.memref_squeeze %dma_start3A_259 : memref<1x32x768xf32, #tpu.memory_space<hbm>> -> memref<32x768xf32, #tpu.memory_space<hbm>>
      %dma_start3A_261 = arith.constant 0 : i32
      %dma_start3A_262 = arith.constant 0 : i32
      %dma_start3A_263 = tpu.memref_slice %arg4[%add3A_140, %dma_start3A_261, %dma_start3A_262] : memref<256x64x768xf32, #tpu.memory_space<hbm>> -> memref<1x32x768xf32, #tpu.memory_space<hbm>>
      %dma_start3A_264 = tpu.memref_squeeze %dma_start3A_263 : memref<1x32x768xf32, #tpu.memory_space<hbm>> -> memref<32x768xf32, #tpu.memory_space<hbm>>
      tpu.enqueue_dma source(%arg7 : memref<32x768xf32, #tpu.memory_space<vmem>>) target(%dma_start3A_264 : memref<32x768xf32, #tpu.memory_space<hbm>>) target_semaphore(%run_scoped3A : memref<!tpu.dma_semaphore, #tpu.memory_space<semaphore_mem>>)
      %dma_wait3A_265 = arith.constant 0 : i32
      %dma_wait3A_266 = arith.constant 0 : i32
      %dma_wait3A_267 = tpu.memref_slice %arg4[%add3A_140, %dma_wait3A_265, %dma_wait3A_266] : memref<256x64x768xf32, #tpu.memory_space<hbm>> -> memref<1x32x768xf32, #tpu.memory_space<hbm>>
      %dma_wait3A_268 = tpu.memref_squeeze %dma_wait3A_267 : memref<1x32x768xf32, #tpu.memory_space<hbm>> -> memref<32x768xf32, #tpu.memory_space<hbm>>
      %dma_wait3A_269 = arith.constant 0 : i32
      %dma_wait3A_270 = arith.constant 0 : i32
      %dma_wait3A_271 = tpu.memref_slice %arg4[%add3A_140, %dma_wait3A_269, %dma_wait3A_270] : memref<256x64x768xf32, #tpu.memory_space<hbm>> -> memref<1x32x768xf32, #tpu.memory_space<hbm>>
      %dma_wait3A_272 = tpu.memref_squeeze %dma_wait3A_271 : memref<1x32x768xf32, #tpu.memory_space<hbm>> -> memref<32x768xf32, #tpu.memory_space<hbm>>
      tpu.wait_dma2 semaphore(%run_scoped3A : memref<!tpu.dma_semaphore, #tpu.memory_space<semaphore_mem>>) src(%arg7 : memref<32x768xf32, #tpu.memory_space<vmem>>) dst(%dma_wait3A_272 : memref<32x768xf32, #tpu.memory_space<hbm>>)
      tpu.yield
    }) : () -> ()
    %dma_start3A_141 = arith.constant 11 : i32
    %dma_start3A_142 = arith.constant 0 : i32
    %dma_start3A_143 = tpu.memref_slice %arg5[%dma_start3A_141, %dma_start3A_142] : memref<16x32xi32, #tpu.memory_space<vmem>> -> memref<1x32xi32, #tpu.memory_space<vmem>>
    %dma_start3A_144 = tpu.memref_squeeze %dma_start3A_143 : memref<1x32xi32, #tpu.memory_space<vmem>> -> memref<32xi32, #tpu.memory_space<vmem>>
    %dma_start3A_145 = arith.constant 0 : i32
    %dma_start3A_146 = arith.constant 0 : i32
    %dma_start3A_147 = tpu.memref_slice %arg2[%dma_start3A_145, %dma_start3A_146] : memref<65536x768xf32, #tpu.memory_space<hbm>> -> memref<65536x768xf32, #tpu.memory_space<hbm>>
    tpu.enqueue_indirect_dma source(%dma_start3A_147 : memref<65536x768xf32, #tpu.memory_space<hbm>>) target(%arg7 : memref<32x768xf32, #tpu.memory_space<vmem>>) offsets(%dma_start3A_144 : memref<32xi32, #tpu.memory_space<vmem>>) semaphore(%arg12 : memref<!tpu.dma_semaphore, #tpu.memory_space<semaphore_mem>>)
    %dma_wait3A_148 = arith.constant 7 : i32
    %dma_wait3A_149 = arith.constant 0 : i32
    %dma_wait3A_150 = tpu.memref_slice %arg5[%dma_wait3A_148, %dma_wait3A_149] : memref<16x32xi32, #tpu.memory_space<vmem>> -> memref<1x32xi32, #tpu.memory_space<vmem>>
    %dma_wait3A_151 = tpu.memref_squeeze %dma_wait3A_150 : memref<1x32xi32, #tpu.memory_space<vmem>> -> memref<32xi32, #tpu.memory_space<vmem>>
    %dma_wait3A_152 = arith.constant 0 : i32
    %dma_wait3A_153 = arith.constant 0 : i32
    %dma_wait3A_154 = tpu.memref_slice %arg2[%dma_wait3A_152, %dma_wait3A_153] : memref<65536x768xf32, #tpu.memory_space<hbm>> -> memref<65536x768xf32, #tpu.memory_space<hbm>>
    tpu.wait_indirect_dma semaphore(%arg13 : memref<!tpu.dma_semaphore, #tpu.memory_space<semaphore_mem>>) src(%dma_wait3A_154 : memref<65536x768xf32, #tpu.memory_space<hbm>>) dst(%arg8 : memref<32x768xf32, #tpu.memory_space<vmem>>)
    %add3A_155 = arith.constant 3 : i32
    %add3A_156 = arith.addi %mul3A_29, %add3A_155 : i32
    "tpu.region"() ({
      %run_scoped3A = tpu.sem_alloc : memref<!tpu.dma_semaphore, #tpu.memory_space<semaphore_mem>>
      %dma_start3A_257 = arith.constant 32 : i32
      %dma_start3A_258 = arith.constant 0 : i32
      %dma_start3A_259 = tpu.memref_slice %arg4[%add3A_156, %dma_start3A_257, %dma_start3A_258] : memref<256x64x768xf32, #tpu.memory_space<hbm>> -> memref<1x32x768xf32, #tpu.memory_space<hbm>>
      %dma_start3A_260 = tpu.memref_squeeze %dma_start3A_259 : memref<1x32x768xf32, #tpu.memory_space<hbm>> -> memref<32x768xf32, #tpu.memory_space<hbm>>
      %dma_start3A_261 = arith.constant 32 : i32
      %dma_start3A_262 = arith.constant 0 : i32
      %dma_start3A_263 = tpu.memref_slice %arg4[%add3A_156, %dma_start3A_261, %dma_start3A_262] : memref<256x64x768xf32, #tpu.memory_space<hbm>> -> memref<1x32x768xf32, #tpu.memory_space<hbm>>
      %dma_start3A_264 = tpu.memref_squeeze %dma_start3A_263 : memref<1x32x768xf32, #tpu.memory_space<hbm>> -> memref<32x768xf32, #tpu.memory_space<hbm>>
      tpu.enqueue_dma source(%arg8 : memref<32x768xf32, #tpu.memory_space<vmem>>) target(%dma_start3A_264 : memref<32x768xf32, #tpu.memory_space<hbm>>) target_semaphore(%run_scoped3A : memref<!tpu.dma_semaphore, #tpu.memory_space<semaphore_mem>>)
      %dma_wait3A_265 = arith.constant 32 : i32
      %dma_wait3A_266 = arith.constant 0 : i32
      %dma_wait3A_267 = tpu.memref_slice %arg4[%add3A_156, %dma_wait3A_265, %dma_wait3A_266] : memref<256x64x768xf32, #tpu.memory_space<hbm>> -> memref<1x32x768xf32, #tpu.memory_space<hbm>>
      %dma_wait3A_268 = tpu.memref_squeeze %dma_wait3A_267 : memref<1x32x768xf32, #tpu.memory_space<hbm>> -> memref<32x768xf32, #tpu.memory_space<hbm>>
      %dma_wait3A_269 = arith.constant 32 : i32
      %dma_wait3A_270 = arith.constant 0 : i32
      %dma_wait3A_271 = tpu.memref_slice %arg4[%add3A_156, %dma_wait3A_269, %dma_wait3A_270] : memref<256x64x768xf32, #tpu.memory_space<hbm>> -> memref<1x32x768xf32, #tpu.memory_space<hbm>>
      %dma_wait3A_272 = tpu.memref_squeeze %dma_wait3A_271 : memref<1x32x768xf32, #tpu.memory_space<hbm>> -> memref<32x768xf32, #tpu.memory_space<hbm>>
      tpu.wait_dma2 semaphore(%run_scoped3A : memref<!tpu.dma_semaphore, #tpu.memory_space<semaphore_mem>>) src(%arg8 : memref<32x768xf32, #tpu.memory_space<vmem>>) dst(%dma_wait3A_272 : memref<32x768xf32, #tpu.memory_space<hbm>>)
      tpu.yield
    }) : () -> ()
    %dma_start3A_157 = arith.constant 12 : i32
    %dma_start3A_158 = arith.constant 0 : i32
    %dma_start3A_159 = tpu.memref_slice %arg5[%dma_start3A_157, %dma_start3A_158] : memref<16x32xi32, #tpu.memory_space<vmem>> -> memref<1x32xi32, #tpu.memory_space<vmem>>
    %dma_start3A_160 = tpu.memref_squeeze %dma_start3A_159 : memref<1x32xi32, #tpu.memory_space<vmem>> -> memref<32xi32, #tpu.memory_space<vmem>>
    %dma_start3A_161 = arith.constant 0 : i32
    %dma_start3A_162 = arith.constant 0 : i32
    %dma_start3A_163 = tpu.memref_slice %arg2[%dma_start3A_161, %dma_start3A_162] : memref<65536x768xf32, #tpu.memory_space<hbm>> -> memref<65536x768xf32, #tpu.memory_space<hbm>>
    tpu.enqueue_indirect_dma source(%dma_start3A_163 : memref<65536x768xf32, #tpu.memory_space<hbm>>) target(%arg8 : memref<32x768xf32, #tpu.memory_space<vmem>>) offsets(%dma_start3A_160 : memref<32xi32, #tpu.memory_space<vmem>>) semaphore(%arg13 : memref<!tpu.dma_semaphore, #tpu.memory_space<semaphore_mem>>)
    %dma_wait3A_164 = arith.constant 8 : i32
    %dma_wait3A_165 = arith.constant 0 : i32
    %dma_wait3A_166 = tpu.memref_slice %arg5[%dma_wait3A_164, %dma_wait3A_165] : memref<16x32xi32, #tpu.memory_space<vmem>> -> memref<1x32xi32, #tpu.memory_space<vmem>>
    %dma_wait3A_167 = tpu.memref_squeeze %dma_wait3A_166 : memref<1x32xi32, #tpu.memory_space<vmem>> -> memref<32xi32, #tpu.memory_space<vmem>>
    %dma_wait3A_168 = arith.constant 0 : i32
    %dma_wait3A_169 = arith.constant 0 : i32
    %dma_wait3A_170 = tpu.memref_slice %arg2[%dma_wait3A_168, %dma_wait3A_169] : memref<65536x768xf32, #tpu.memory_space<hbm>> -> memref<65536x768xf32, #tpu.memory_space<hbm>>
    tpu.wait_indirect_dma semaphore(%arg14 : memref<!tpu.dma_semaphore, #tpu.memory_space<semaphore_mem>>) src(%dma_wait3A_170 : memref<65536x768xf32, #tpu.memory_space<hbm>>) dst(%arg9 : memref<32x768xf32, #tpu.memory_space<vmem>>)
    %add3A_171 = arith.constant 4 : i32
    %add3A_172 = arith.addi %mul3A_29, %add3A_171 : i32
    "tpu.region"() ({
      %run_scoped3A = tpu.sem_alloc : memref<!tpu.dma_semaphore, #tpu.memory_space<semaphore_mem>>
      %dma_start3A_257 = arith.constant 0 : i32
      %dma_start3A_258 = arith.constant 0 : i32
      %dma_start3A_259 = tpu.memref_slice %arg4[%add3A_172, %dma_start3A_257, %dma_start3A_258] : memref<256x64x768xf32, #tpu.memory_space<hbm>> -> memref<1x32x768xf32, #tpu.memory_space<hbm>>
      %dma_start3A_260 = tpu.memref_squeeze %dma_start3A_259 : memref<1x32x768xf32, #tpu.memory_space<hbm>> -> memref<32x768xf32, #tpu.memory_space<hbm>>
      %dma_start3A_261 = arith.constant 0 : i32
      %dma_start3A_262 = arith.constant 0 : i32
      %dma_start3A_263 = tpu.memref_slice %arg4[%add3A_172, %dma_start3A_261, %dma_start3A_262] : memref<256x64x768xf32, #tpu.memory_space<hbm>> -> memref<1x32x768xf32, #tpu.memory_space<hbm>>
      %dma_start3A_264 = tpu.memref_squeeze %dma_start3A_263 : memref<1x32x768xf32, #tpu.memory_space<hbm>> -> memref<32x768xf32, #tpu.memory_space<hbm>>
      tpu.enqueue_dma source(%arg9 : memref<32x768xf32, #tpu.memory_space<vmem>>) target(%dma_start3A_264 : memref<32x768xf32, #tpu.memory_space<hbm>>) target_semaphore(%run_scoped3A : memref<!tpu.dma_semaphore, #tpu.memory_space<semaphore_mem>>)
      %dma_wait3A_265 = arith.constant 0 : i32
      %dma_wait3A_266 = arith.constant 0 : i32
      %dma_wait3A_267 = tpu.memref_slice %arg4[%add3A_172, %dma_wait3A_265, %dma_wait3A_266] : memref<256x64x768xf32, #tpu.memory_space<hbm>> -> memref<1x32x768xf32, #tpu.memory_space<hbm>>
      %dma_wait3A_268 = tpu.memref_squeeze %dma_wait3A_267 : memref<1x32x768xf32, #tpu.memory_space<hbm>> -> memref<32x768xf32, #tpu.memory_space<hbm>>
      %dma_wait3A_269 = arith.constant 0 : i32
      %dma_wait3A_270 = arith.constant 0 : i32
      %dma_wait3A_271 = tpu.memref_slice %arg4[%add3A_172, %dma_wait3A_269, %dma_wait3A_270] : memref<256x64x768xf32, #tpu.memory_space<hbm>> -> memref<1x32x768xf32, #tpu.memory_space<hbm>>
      %dma_wait3A_272 = tpu.memref_squeeze %dma_wait3A_271 : memref<1x32x768xf32, #tpu.memory_space<hbm>> -> memref<32x768xf32, #tpu.memory_space<hbm>>
      tpu.wait_dma2 semaphore(%run_scoped3A : memref<!tpu.dma_semaphore, #tpu.memory_space<semaphore_mem>>) src(%arg9 : memref<32x768xf32, #tpu.memory_space<vmem>>) dst(%dma_wait3A_272 : memref<32x768xf32, #tpu.memory_space<hbm>>)
      tpu.yield
    }) : () -> ()
    %dma_start3A_173 = arith.constant 13 : i32
    %dma_start3A_174 = arith.constant 0 : i32
    %dma_start3A_175 = tpu.memref_slice %arg5[%dma_start3A_173, %dma_start3A_174] : memref<16x32xi32, #tpu.memory_space<vmem>> -> memref<1x32xi32, #tpu.memory_space<vmem>>
    %dma_start3A_176 = tpu.memref_squeeze %dma_start3A_175 : memref<1x32xi32, #tpu.memory_space<vmem>> -> memref<32xi32, #tpu.memory_space<vmem>>
    %dma_start3A_177 = arith.constant 0 : i32
    %dma_start3A_178 = arith.constant 0 : i32
    %dma_start3A_179 = tpu.memref_slice %arg2[%dma_start3A_177, %dma_start3A_178] : memref<65536x768xf32, #tpu.memory_space<hbm>> -> memref<65536x768xf32, #tpu.memory_space<hbm>>
    tpu.enqueue_indirect_dma source(%dma_start3A_179 : memref<65536x768xf32, #tpu.memory_space<hbm>>) target(%arg9 : memref<32x768xf32, #tpu.memory_space<vmem>>) offsets(%dma_start3A_176 : memref<32xi32, #tpu.memory_space<vmem>>) semaphore(%arg14 : memref<!tpu.dma_semaphore, #tpu.memory_space<semaphore_mem>>)
    %dma_wait3A_180 = arith.constant 9 : i32
    %dma_wait3A_181 = arith.constant 0 : i32
    %dma_wait3A_182 = tpu.memref_slice %arg5[%dma_wait3A_180, %dma_wait3A_181] : memref<16x32xi32, #tpu.memory_space<vmem>> -> memref<1x32xi32, #tpu.memory_space<vmem>>
    %dma_wait3A_183 = tpu.memref_squeeze %dma_wait3A_182 : memref<1x32xi32, #tpu.memory_space<vmem>> -> memref<32xi32, #tpu.memory_space<vmem>>
    %dma_wait3A_184 = arith.constant 0 : i32
    %dma_wait3A_185 = arith.constant 0 : i32
    %dma_wait3A_186 = tpu.memref_slice %arg2[%dma_wait3A_184, %dma_wait3A_185] : memref<65536x768xf32, #tpu.memory_space<hbm>> -> memref<65536x768xf32, #tpu.memory_space<hbm>>
    tpu.wait_indirect_dma semaphore(%arg15 : memref<!tpu.dma_semaphore, #tpu.memory_space<semaphore_mem>>) src(%dma_wait3A_186 : memref<65536x768xf32, #tpu.memory_space<hbm>>) dst(%arg10 : memref<32x768xf32, #tpu.memory_space<vmem>>)
    %add3A_187 = arith.constant 4 : i32
    %add3A_188 = arith.addi %mul3A_29, %add3A_187 : i32
    "tpu.region"() ({
      %run_scoped3A = tpu.sem_alloc : memref<!tpu.dma_semaphore, #tpu.memory_space<semaphore_mem>>
      %dma_start3A_257 = arith.constant 32 : i32
      %dma_start3A_258 = arith.constant 0 : i32
      %dma_start3A_259 = tpu.memref_slice %arg4[%add3A_188, %dma_start3A_257, %dma_start3A_258] : memref<256x64x768xf32, #tpu.memory_space<hbm>> -> memref<1x32x768xf32, #tpu.memory_space<hbm>>
      %dma_start3A_260 = tpu.memref_squeeze %dma_start3A_259 : memref<1x32x768xf32, #tpu.memory_space<hbm>> -> memref<32x768xf32, #tpu.memory_space<hbm>>
      %dma_start3A_261 = arith.constant 32 : i32
      %dma_start3A_262 = arith.constant 0 : i32
      %dma_start3A_263 = tpu.memref_slice %arg4[%add3A_188, %dma_start3A_261, %dma_start3A_262] : memref<256x64x768xf32, #tpu.memory_space<hbm>> -> memref<1x32x768xf32, #tpu.memory_space<hbm>>
      %dma_start3A_264 = tpu.memref_squeeze %dma_start3A_263 : memref<1x32x768xf32, #tpu.memory_space<hbm>> -> memref<32x768xf32, #tpu.memory_space<hbm>>
      tpu.enqueue_dma source(%arg10 : memref<32x768xf32, #tpu.memory_space<vmem>>) target(%dma_start3A_264 : memref<32x768xf32, #tpu.memory_space<hbm>>) target_semaphore(%run_scoped3A : memref<!tpu.dma_semaphore, #tpu.memory_space<semaphore_mem>>)
      %dma_wait3A_265 = arith.constant 32 : i32
      %dma_wait3A_266 = arith.constant 0 : i32
      %dma_wait3A_267 = tpu.memref_slice %arg4[%add3A_188, %dma_wait3A_265, %dma_wait3A_266] : memref<256x64x768xf32, #tpu.memory_space<hbm>> -> memref<1x32x768xf32, #tpu.memory_space<hbm>>
      %dma_wait3A_268 = tpu.memref_squeeze %dma_wait3A_267 : memref<1x32x768xf32, #tpu.memory_space<hbm>> -> memref<32x768xf32, #tpu.memory_space<hbm>>
      %dma_wait3A_269 = arith.constant 32 : i32
      %dma_wait3A_270 = arith.constant 0 : i32
      %dma_wait3A_271 = tpu.memref_slice %arg4[%add3A_188, %dma_wait3A_269, %dma_wait3A_270] : memref<256x64x768xf32, #tpu.memory_space<hbm>> -> memref<1x32x768xf32, #tpu.memory_space<hbm>>
      %dma_wait3A_272 = tpu.memref_squeeze %dma_wait3A_271 : memref<1x32x768xf32, #tpu.memory_space<hbm>> -> memref<32x768xf32, #tpu.memory_space<hbm>>
      tpu.wait_dma2 semaphore(%run_scoped3A : memref<!tpu.dma_semaphore, #tpu.memory_space<semaphore_mem>>) src(%arg10 : memref<32x768xf32, #tpu.memory_space<vmem>>) dst(%dma_wait3A_272 : memref<32x768xf32, #tpu.memory_space<hbm>>)
      tpu.yield
    }) : () -> ()
    %dma_start3A_189 = arith.constant 14 : i32
    %dma_start3A_190 = arith.constant 0 : i32
    %dma_start3A_191 = tpu.memref_slice %arg5[%dma_start3A_189, %dma_start3A_190] : memref<16x32xi32, #tpu.memory_space<vmem>> -> memref<1x32xi32, #tpu.memory_space<vmem>>
    %dma_start3A_192 = tpu.memref_squeeze %dma_start3A_191 : memref<1x32xi32, #tpu.memory_space<vmem>> -> memref<32xi32, #tpu.memory_space<vmem>>
    %dma_start3A_193 = arith.constant 0 : i32
    %dma_start3A_194 = arith.constant 0 : i32
    %dma_start3A_195 = tpu.memref_slice %arg2[%dma_start3A_193, %dma_start3A_194] : memref<65536x768xf32, #tpu.memory_space<hbm>> -> memref<65536x768xf32, #tpu.memory_space<hbm>>
    tpu.enqueue_indirect_dma source(%dma_start3A_195 : memref<65536x768xf32, #tpu.memory_space<hbm>>) target(%arg10 : memref<32x768xf32, #tpu.memory_space<vmem>>) offsets(%dma_start3A_192 : memref<32xi32, #tpu.memory_space<vmem>>) semaphore(%arg15 : memref<!tpu.dma_semaphore, #tpu.memory_space<semaphore_mem>>)
    %dma_wait3A_196 = arith.constant 10 : i32
    %dma_wait3A_197 = arith.constant 0 : i32
    %dma_wait3A_198 = tpu.memref_slice %arg5[%dma_wait3A_196, %dma_wait3A_197] : memref<16x32xi32, #tpu.memory_space<vmem>> -> memref<1x32xi32, #tpu.memory_space<vmem>>
    %dma_wait3A_199 = tpu.memref_squeeze %dma_wait3A_198 : memref<1x32xi32, #tpu.memory_space<vmem>> -> memref<32xi32, #tpu.memory_space<vmem>>
    %dma_wait3A_200 = arith.constant 0 : i32
    %dma_wait3A_201 = arith.constant 0 : i32
    %dma_wait3A_202 = tpu.memref_slice %arg2[%dma_wait3A_200, %dma_wait3A_201] : memref<65536x768xf32, #tpu.memory_space<hbm>> -> memref<65536x768xf32, #tpu.memory_space<hbm>>
    tpu.wait_indirect_dma semaphore(%arg11 : memref<!tpu.dma_semaphore, #tpu.memory_space<semaphore_mem>>) src(%dma_wait3A_202 : memref<65536x768xf32, #tpu.memory_space<hbm>>) dst(%arg6 : memref<32x768xf32, #tpu.memory_space<vmem>>)
    %add3A_203 = arith.constant 5 : i32
    %add3A_204 = arith.addi %mul3A_29, %add3A_203 : i32
    "tpu.region"() ({
      %run_scoped3A = tpu.sem_alloc : memref<!tpu.dma_semaphore, #tpu.memory_space<semaphore_mem>>
      %dma_start3A_257 = arith.constant 0 : i32
      %dma_start3A_258 = arith.constant 0 : i32
      %dma_start3A_259 = tpu.memref_slice %arg4[%add3A_204, %dma_start3A_257, %dma_start3A_258] : memref<256x64x768xf32, #tpu.memory_space<hbm>> -> memref<1x32x768xf32, #tpu.memory_space<hbm>>
      %dma_start3A_260 = tpu.memref_squeeze %dma_start3A_259 : memref<1x32x768xf32, #tpu.memory_space<hbm>> -> memref<32x768xf32, #tpu.memory_space<hbm>>
      %dma_start3A_261 = arith.constant 0 : i32
      %dma_start3A_262 = arith.constant 0 : i32
      %dma_start3A_263 = tpu.memref_slice %arg4[%add3A_204, %dma_start3A_261, %dma_start3A_262] : memref<256x64x768xf32, #tpu.memory_space<hbm>> -> memref<1x32x768xf32, #tpu.memory_space<hbm>>
      %dma_start3A_264 = tpu.memref_squeeze %dma_start3A_263 : memref<1x32x768xf32, #tpu.memory_space<hbm>> -> memref<32x768xf32, #tpu.memory_space<hbm>>
      tpu.enqueue_dma source(%arg6 : memref<32x768xf32, #tpu.memory_space<vmem>>) target(%dma_start3A_264 : memref<32x768xf32, #tpu.memory_space<hbm>>) target_semaphore(%run_scoped3A : memref<!tpu.dma_semaphore, #tpu.memory_space<semaphore_mem>>)
      %dma_wait3A_265 = arith.constant 0 : i32
      %dma_wait3A_266 = arith.constant 0 : i32
      %dma_wait3A_267 = tpu.memref_slice %arg4[%add3A_204, %dma_wait3A_265, %dma_wait3A_266] : memref<256x64x768xf32, #tpu.memory_space<hbm>> -> memref<1x32x768xf32, #tpu.memory_space<hbm>>
      %dma_wait3A_268 = tpu.memref_squeeze %dma_wait3A_267 : memref<1x32x768xf32, #tpu.memory_space<hbm>> -> memref<32x768xf32, #tpu.memory_space<hbm>>
      %dma_wait3A_269 = arith.constant 0 : i32
      %dma_wait3A_270 = arith.constant 0 : i32
      %dma_wait3A_271 = tpu.memref_slice %arg4[%add3A_204, %dma_wait3A_269, %dma_wait3A_270] : memref<256x64x768xf32, #tpu.memory_space<hbm>> -> memref<1x32x768xf32, #tpu.memory_space<hbm>>
      %dma_wait3A_272 = tpu.memref_squeeze %dma_wait3A_271 : memref<1x32x768xf32, #tpu.memory_space<hbm>> -> memref<32x768xf32, #tpu.memory_space<hbm>>
      tpu.wait_dma2 semaphore(%run_scoped3A : memref<!tpu.dma_semaphore, #tpu.memory_space<semaphore_mem>>) src(%arg6 : memref<32x768xf32, #tpu.memory_space<vmem>>) dst(%dma_wait3A_272 : memref<32x768xf32, #tpu.memory_space<hbm>>)
      tpu.yield
    }) : () -> ()
    %dma_start3A_205 = arith.constant 15 : i32
    %dma_start3A_206 = arith.constant 0 : i32
    %dma_start3A_207 = tpu.memref_slice %arg5[%dma_start3A_205, %dma_start3A_206] : memref<16x32xi32, #tpu.memory_space<vmem>> -> memref<1x32xi32, #tpu.memory_space<vmem>>
    %dma_start3A_208 = tpu.memref_squeeze %dma_start3A_207 : memref<1x32xi32, #tpu.memory_space<vmem>> -> memref<32xi32, #tpu.memory_space<vmem>>
    %dma_start3A_209 = arith.constant 0 : i32
    %dma_start3A_210 = arith.constant 0 : i32
    %dma_start3A_211 = tpu.memref_slice %arg2[%dma_start3A_209, %dma_start3A_210] : memref<65536x768xf32, #tpu.memory_space<hbm>> -> memref<65536x768xf32, #tpu.memory_space<hbm>>
    tpu.enqueue_indirect_dma source(%dma_start3A_211 : memref<65536x768xf32, #tpu.memory_space<hbm>>) target(%arg6 : memref<32x768xf32, #tpu.memory_space<vmem>>) offsets(%dma_start3A_208 : memref<32xi32, #tpu.memory_space<vmem>>) semaphore(%arg11 : memref<!tpu.dma_semaphore, #tpu.memory_space<semaphore_mem>>)
    %dma_wait3A_212 = arith.constant 11 : i32
    %dma_wait3A_213 = arith.constant 0 : i32
    %dma_wait3A_214 = tpu.memref_slice %arg5[%dma_wait3A_212, %dma_wait3A_213] : memref<16x32xi32, #tpu.memory_space<vmem>> -> memref<1x32xi32, #tpu.memory_space<vmem>>
    %dma_wait3A_215 = tpu.memref_squeeze %dma_wait3A_214 : memref<1x32xi32, #tpu.memory_space<vmem>> -> memref<32xi32, #tpu.memory_space<vmem>>
    %dma_wait3A_216 = arith.constant 0 : i32
    %dma_wait3A_217 = arith.constant 0 : i32
    %dma_wait3A_218 = tpu.memref_slice %arg2[%dma_wait3A_216, %dma_wait3A_217] : memref<65536x768xf32, #tpu.memory_space<hbm>> -> memref<65536x768xf32, #tpu.memory_space<hbm>>
    tpu.wait_indirect_dma semaphore(%arg12 : memref<!tpu.dma_semaphore, #tpu.memory_space<semaphore_mem>>) src(%dma_wait3A_218 : memref<65536x768xf32, #tpu.memory_space<hbm>>) dst(%arg7 : memref<32x768xf32, #tpu.memory_space<vmem>>)
    %add3A_219 = arith.constant 5 : i32
    %add3A_220 = arith.addi %mul3A_29, %add3A_219 : i32
    "tpu.region"() ({
      %run_scoped3A = tpu.sem_alloc : memref<!tpu.dma_semaphore, #tpu.memory_space<semaphore_mem>>
      %dma_start3A_257 = arith.constant 32 : i32
      %dma_start3A_258 = arith.constant 0 : i32
      %dma_start3A_259 = tpu.memref_slice %arg4[%add3A_220, %dma_start3A_257, %dma_start3A_258] : memref<256x64x768xf32, #tpu.memory_space<hbm>> -> memref<1x32x768xf32, #tpu.memory_space<hbm>>
      %dma_start3A_260 = tpu.memref_squeeze %dma_start3A_259 : memref<1x32x768xf32, #tpu.memory_space<hbm>> -> memref<32x768xf32, #tpu.memory_space<hbm>>
      %dma_start3A_261 = arith.constant 32 : i32
      %dma_start3A_262 = arith.constant 0 : i32
      %dma_start3A_263 = tpu.memref_slice %arg4[%add3A_220, %dma_start3A_261, %dma_start3A_262] : memref<256x64x768xf32, #tpu.memory_space<hbm>> -> memref<1x32x768xf32, #tpu.memory_space<hbm>>
      %dma_start3A_264 = tpu.memref_squeeze %dma_start3A_263 : memref<1x32x768xf32, #tpu.memory_space<hbm>> -> memref<32x768xf32, #tpu.memory_space<hbm>>
      tpu.enqueue_dma source(%arg7 : memref<32x768xf32, #tpu.memory_space<vmem>>) target(%dma_start3A_264 : memref<32x768xf32, #tpu.memory_space<hbm>>) target_semaphore(%run_scoped3A : memref<!tpu.dma_semaphore, #tpu.memory_space<semaphore_mem>>)
      %dma_wait3A_265 = arith.constant 32 : i32
      %dma_wait3A_266 = arith.constant 0 : i32
      %dma_wait3A_267 = tpu.memref_slice %arg4[%add3A_220, %dma_wait3A_265, %dma_wait3A_266] : memref<256x64x768xf32, #tpu.memory_space<hbm>> -> memref<1x32x768xf32, #tpu.memory_space<hbm>>
      %dma_wait3A_268 = tpu.memref_squeeze %dma_wait3A_267 : memref<1x32x768xf32, #tpu.memory_space<hbm>> -> memref<32x768xf32, #tpu.memory_space<hbm>>
      %dma_wait3A_269 = arith.constant 32 : i32
      %dma_wait3A_270 = arith.constant 0 : i32
      %dma_wait3A_271 = tpu.memref_slice %arg4[%add3A_220, %dma_wait3A_269, %dma_wait3A_270] : memref<256x64x768xf32, #tpu.memory_space<hbm>> -> memref<1x32x768xf32, #tpu.memory_space<hbm>>
      %dma_wait3A_272 = tpu.memref_squeeze %dma_wait3A_271 : memref<1x32x768xf32, #tpu.memory_space<hbm>> -> memref<32x768xf32, #tpu.memory_space<hbm>>
      tpu.wait_dma2 semaphore(%run_scoped3A : memref<!tpu.dma_semaphore, #tpu.memory_space<semaphore_mem>>) src(%arg7 : memref<32x768xf32, #tpu.memory_space<vmem>>) dst(%dma_wait3A_272 : memref<32x768xf32, #tpu.memory_space<hbm>>)
      tpu.yield
    }) : () -> ()
    %dma_wait3A_221 = arith.constant 12 : i32
    %dma_wait3A_222 = arith.constant 0 : i32
    %dma_wait3A_223 = tpu.memref_slice %arg5[%dma_wait3A_221, %dma_wait3A_222] : memref<16x32xi32, #tpu.memory_space<vmem>> -> memref<1x32xi32, #tpu.memory_space<vmem>>
    %dma_wait3A_224 = tpu.memref_squeeze %dma_wait3A_223 : memref<1x32xi32, #tpu.memory_space<vmem>> -> memref<32xi32, #tpu.memory_space<vmem>>
    %dma_wait3A_225 = arith.constant 0 : i32
    %dma_wait3A_226 = arith.constant 0 : i32
    %dma_wait3A_227 = tpu.memref_slice %arg2[%dma_wait3A_225, %dma_wait3A_226] : memref<65536x768xf32, #tpu.memory_space<hbm>> -> memref<65536x768xf32, #tpu.memory_space<hbm>>
    tpu.wait_indirect_dma semaphore(%arg13 : memref<!tpu.dma_semaphore, #tpu.memory_space<semaphore_mem>>) src(%dma_wait3A_227 : memref<65536x768xf32, #tpu.memory_space<hbm>>) dst(%arg8 : memref<32x768xf32, #tpu.memory_space<vmem>>)
    %add3A_228 = arith.constant 6 : i32
    %add3A_229 = arith.addi %mul3A_29, %add3A_228 : i32
    "tpu.region"() ({
      %run_scoped3A = tpu.sem_alloc : memref<!tpu.dma_semaphore, #tpu.memory_space<semaphore_mem>>
      %dma_start3A_257 = arith.constant 0 : i32
      %dma_start3A_258 = arith.constant 0 : i32
      %dma_start3A_259 = tpu.memref_slice %arg4[%add3A_229, %dma_start3A_257, %dma_start3A_258] : memref<256x64x768xf32, #tpu.memory_space<hbm>> -> memref<1x32x768xf32, #tpu.memory_space<hbm>>
      %dma_start3A_260 = tpu.memref_squeeze %dma_start3A_259 : memref<1x32x768xf32, #tpu.memory_space<hbm>> -> memref<32x768xf32, #tpu.memory_space<hbm>>
      %dma_start3A_261 = arith.constant 0 : i32
      %dma_start3A_262 = arith.constant 0 : i32
      %dma_start3A_263 = tpu.memref_slice %arg4[%add3A_229, %dma_start3A_261, %dma_start3A_262] : memref<256x64x768xf32, #tpu.memory_space<hbm>> -> memref<1x32x768xf32, #tpu.memory_space<hbm>>
      %dma_start3A_264 = tpu.memref_squeeze %dma_start3A_263 : memref<1x32x768xf32, #tpu.memory_space<hbm>> -> memref<32x768xf32, #tpu.memory_space<hbm>>
      tpu.enqueue_dma source(%arg8 : memref<32x768xf32, #tpu.memory_space<vmem>>) target(%dma_start3A_264 : memref<32x768xf32, #tpu.memory_space<hbm>>) target_semaphore(%run_scoped3A : memref<!tpu.dma_semaphore, #tpu.memory_space<semaphore_mem>>)
      %dma_wait3A_265 = arith.constant 0 : i32
      %dma_wait3A_266 = arith.constant 0 : i32
      %dma_wait3A_267 = tpu.memref_slice %arg4[%add3A_229, %dma_wait3A_265, %dma_wait3A_266] : memref<256x64x768xf32, #tpu.memory_space<hbm>> -> memref<1x32x768xf32, #tpu.memory_space<hbm>>
      %dma_wait3A_268 = tpu.memref_squeeze %dma_wait3A_267 : memref<1x32x768xf32, #tpu.memory_space<hbm>> -> memref<32x768xf32, #tpu.memory_space<hbm>>
      %dma_wait3A_269 = arith.constant 0 : i32
      %dma_wait3A_270 = arith.constant 0 : i32
      %dma_wait3A_271 = tpu.memref_slice %arg4[%add3A_229, %dma_wait3A_269, %dma_wait3A_270] : memref<256x64x768xf32, #tpu.memory_space<hbm>> -> memref<1x32x768xf32, #tpu.memory_space<hbm>>
      %dma_wait3A_272 = tpu.memref_squeeze %dma_wait3A_271 : memref<1x32x768xf32, #tpu.memory_space<hbm>> -> memref<32x768xf32, #tpu.memory_space<hbm>>
      tpu.wait_dma2 semaphore(%run_scoped3A : memref<!tpu.dma_semaphore, #tpu.memory_space<semaphore_mem>>) src(%arg8 : memref<32x768xf32, #tpu.memory_space<vmem>>) dst(%dma_wait3A_272 : memref<32x768xf32, #tpu.memory_space<hbm>>)
      tpu.yield
    }) : () -> ()
    %dma_wait3A_230 = arith.constant 13 : i32
    %dma_wait3A_231 = arith.constant 0 : i32
    %dma_wait3A_232 = tpu.memref_slice %arg5[%dma_wait3A_230, %dma_wait3A_231] : memref<16x32xi32, #tpu.memory_space<vmem>> -> memref<1x32xi32, #tpu.memory_space<vmem>>
    %dma_wait3A_233 = tpu.memref_squeeze %dma_wait3A_232 : memref<1x32xi32, #tpu.memory_space<vmem>> -> memref<32xi32, #tpu.memory_space<vmem>>
    %dma_wait3A_234 = arith.constant 0 : i32
    %dma_wait3A_235 = arith.constant 0 : i32
    %dma_wait3A_236 = tpu.memref_slice %arg2[%dma_wait3A_234, %dma_wait3A_235] : memref<65536x768xf32, #tpu.memory_space<hbm>> -> memref<65536x768xf32, #tpu.memory_space<hbm>>
    tpu.wait_indirect_dma semaphore(%arg14 : memref<!tpu.dma_semaphore, #tpu.memory_space<semaphore_mem>>) src(%dma_wait3A_236 : memref<65536x768xf32, #tpu.memory_space<hbm>>) dst(%arg9 : memref<32x768xf32, #tpu.memory_space<vmem>>)
    %add3A_237 = arith.constant 6 : i32
    %add3A_238 = arith.addi %mul3A_29, %add3A_237 : i32
    "tpu.region"() ({
      %run_scoped3A = tpu.sem_alloc : memref<!tpu.dma_semaphore, #tpu.memory_space<semaphore_mem>>
      %dma_start3A_257 = arith.constant 32 : i32
      %dma_start3A_258 = arith.constant 0 : i32
      %dma_start3A_259 = tpu.memref_slice %arg4[%add3A_238, %dma_start3A_257, %dma_start3A_258] : memref<256x64x768xf32, #tpu.memory_space<hbm>> -> memref<1x32x768xf32, #tpu.memory_space<hbm>>
      %dma_start3A_260 = tpu.memref_squeeze %dma_start3A_259 : memref<1x32x768xf32, #tpu.memory_space<hbm>> -> memref<32x768xf32, #tpu.memory_space<hbm>>
      %dma_start3A_261 = arith.constant 32 : i32
      %dma_start3A_262 = arith.constant 0 : i32
      %dma_start3A_263 = tpu.memref_slice %arg4[%add3A_238, %dma_start3A_261, %dma_start3A_262] : memref<256x64x768xf32, #tpu.memory_space<hbm>> -> memref<1x32x768xf32, #tpu.memory_space<hbm>>
      %dma_start3A_264 = tpu.memref_squeeze %dma_start3A_263 : memref<1x32x768xf32, #tpu.memory_space<hbm>> -> memref<32x768xf32, #tpu.memory_space<hbm>>
      tpu.enqueue_dma source(%arg9 : memref<32x768xf32, #tpu.memory_space<vmem>>) target(%dma_start3A_264 : memref<32x768xf32, #tpu.memory_space<hbm>>) target_semaphore(%run_scoped3A : memref<!tpu.dma_semaphore, #tpu.memory_space<semaphore_mem>>)
      %dma_wait3A_265 = arith.constant 32 : i32
      %dma_wait3A_266 = arith.constant 0 : i32
      %dma_wait3A_267 = tpu.memref_slice %arg4[%add3A_238, %dma_wait3A_265, %dma_wait3A_266] : memref<256x64x768xf32, #tpu.memory_space<hbm>> -> memref<1x32x768xf32, #tpu.memory_space<hbm>>
      %dma_wait3A_268 = tpu.memref_squeeze %dma_wait3A_267 : memref<1x32x768xf32, #tpu.memory_space<hbm>> -> memref<32x768xf32, #tpu.memory_space<hbm>>
      %dma_wait3A_269 = arith.constant 32 : i32
      %dma_wait3A_270 = arith.constant 0 : i32
      %dma_wait3A_271 = tpu.memref_slice %arg4[%add3A_238, %dma_wait3A_269, %dma_wait3A_270] : memref<256x64x768xf32, #tpu.memory_space<hbm>> -> memref<1x32x768xf32, #tpu.memory_space<hbm>>
      %dma_wait3A_272 = tpu.memref_squeeze %dma_wait3A_271 : memref<1x32x768xf32, #tpu.memory_space<hbm>> -> memref<32x768xf32, #tpu.memory_space<hbm>>
      tpu.wait_dma2 semaphore(%run_scoped3A : memref<!tpu.dma_semaphore, #tpu.memory_space<semaphore_mem>>) src(%arg9 : memref<32x768xf32, #tpu.memory_space<vmem>>) dst(%dma_wait3A_272 : memref<32x768xf32, #tpu.memory_space<hbm>>)
      tpu.yield
    }) : () -> ()
    %dma_wait3A_239 = arith.constant 14 : i32
    %dma_wait3A_240 = arith.constant 0 : i32
    %dma_wait3A_241 = tpu.memref_slice %arg5[%dma_wait3A_239, %dma_wait3A_240] : memref<16x32xi32, #tpu.memory_space<vmem>> -> memref<1x32xi32, #tpu.memory_space<vmem>>
    %dma_wait3A_242 = tpu.memref_squeeze %dma_wait3A_241 : memref<1x32xi32, #tpu.memory_space<vmem>> -> memref<32xi32, #tpu.memory_space<vmem>>
    %dma_wait3A_243 = arith.constant 0 : i32
    %dma_wait3A_244 = arith.constant 0 : i32
    %dma_wait3A_245 = tpu.memref_slice %arg2[%dma_wait3A_243, %dma_wait3A_244] : memref<65536x768xf32, #tpu.memory_space<hbm>> -> memref<65536x768xf32, #tpu.memory_space<hbm>>
    tpu.wait_indirect_dma semaphore(%arg15 : memref<!tpu.dma_semaphore, #tpu.memory_space<semaphore_mem>>) src(%dma_wait3A_245 : memref<65536x768xf32, #tpu.memory_space<hbm>>) dst(%arg10 : memref<32x768xf32, #tpu.memory_space<vmem>>)
    %add3A_246 = arith.constant 7 : i32
    %add3A_247 = arith.addi %mul3A_29, %add3A_246 : i32
    "tpu.region"() ({
      %run_scoped3A = tpu.sem_alloc : memref<!tpu.dma_semaphore, #tpu.memory_space<semaphore_mem>>
      %dma_start3A_257 = arith.constant 0 : i32
      %dma_start3A_258 = arith.constant 0 : i32
      %dma_start3A_259 = tpu.memref_slice %arg4[%add3A_247, %dma_start3A_257, %dma_start3A_258] : memref<256x64x768xf32, #tpu.memory_space<hbm>> -> memref<1x32x768xf32, #tpu.memory_space<hbm>>
      %dma_start3A_260 = tpu.memref_squeeze %dma_start3A_259 : memref<1x32x768xf32, #tpu.memory_space<hbm>> -> memref<32x768xf32, #tpu.memory_space<hbm>>
      %dma_start3A_261 = arith.constant 0 : i32
      %dma_start3A_262 = arith.constant 0 : i32
      %dma_start3A_263 = tpu.memref_slice %arg4[%add3A_247, %dma_start3A_261, %dma_start3A_262] : memref<256x64x768xf32, #tpu.memory_space<hbm>> -> memref<1x32x768xf32, #tpu.memory_space<hbm>>
      %dma_start3A_264 = tpu.memref_squeeze %dma_start3A_263 : memref<1x32x768xf32, #tpu.memory_space<hbm>> -> memref<32x768xf32, #tpu.memory_space<hbm>>
      tpu.enqueue_dma source(%arg10 : memref<32x768xf32, #tpu.memory_space<vmem>>) target(%dma_start3A_264 : memref<32x768xf32, #tpu.memory_space<hbm>>) target_semaphore(%run_scoped3A : memref<!tpu.dma_semaphore, #tpu.memory_space<semaphore_mem>>)
      %dma_wait3A_265 = arith.constant 0 : i32
      %dma_wait3A_266 = arith.constant 0 : i32
      %dma_wait3A_267 = tpu.memref_slice %arg4[%add3A_247, %dma_wait3A_265, %dma_wait3A_266] : memref<256x64x768xf32, #tpu.memory_space<hbm>> -> memref<1x32x768xf32, #tpu.memory_space<hbm>>
      %dma_wait3A_268 = tpu.memref_squeeze %dma_wait3A_267 : memref<1x32x768xf32, #tpu.memory_space<hbm>> -> memref<32x768xf32, #tpu.memory_space<hbm>>
      %dma_wait3A_269 = arith.constant 0 : i32
      %dma_wait3A_270 = arith.constant 0 : i32
      %dma_wait3A_271 = tpu.memref_slice %arg4[%add3A_247, %dma_wait3A_269, %dma_wait3A_270] : memref<256x64x768xf32, #tpu.memory_space<hbm>> -> memref<1x32x768xf32, #tpu.memory_space<hbm>>
      %dma_wait3A_272 = tpu.memref_squeeze %dma_wait3A_271 : memref<1x32x768xf32, #tpu.memory_space<hbm>> -> memref<32x768xf32, #tpu.memory_space<hbm>>
      tpu.wait_dma2 semaphore(%run_scoped3A : memref<!tpu.dma_semaphore, #tpu.memory_space<semaphore_mem>>) src(%arg10 : memref<32x768xf32, #tpu.memory_space<vmem>>) dst(%dma_wait3A_272 : memref<32x768xf32, #tpu.memory_space<hbm>>)
      tpu.yield
    }) : () -> ()
    %dma_wait3A_248 = arith.constant 15 : i32
    %dma_wait3A_249 = arith.constant 0 : i32
    %dma_wait3A_250 = tpu.memref_slice %arg5[%dma_wait3A_248, %dma_wait3A_249] : memref<16x32xi32, #tpu.memory_space<vmem>> -> memref<1x32xi32, #tpu.memory_space<vmem>>
    %dma_wait3A_251 = tpu.memref_squeeze %dma_wait3A_250 : memref<1x32xi32, #tpu.memory_space<vmem>> -> memref<32xi32, #tpu.memory_space<vmem>>
    %dma_wait3A_252 = arith.constant 0 : i32
    %dma_wait3A_253 = arith.constant 0 : i32
    %dma_wait3A_254 = tpu.memref_slice %arg2[%dma_wait3A_252, %dma_wait3A_253] : memref<65536x768xf32, #tpu.memory_space<hbm>> -> memref<65536x768xf32, #tpu.memory_space<hbm>>
    tpu.wait_indirect_dma semaphore(%arg11 : memref<!tpu.dma_semaphore, #tpu.memory_space<semaphore_mem>>) src(%dma_wait3A_254 : memref<65536x768xf32, #tpu.memory_space<hbm>>) dst(%arg6 : memref<32x768xf32, #tpu.memory_space<vmem>>)
    %add3A_255 = arith.constant 7 : i32
    %add3A_256 = arith.addi %mul3A_29, %add3A_255 : i32
    "tpu.region"() ({
      %run_scoped3A = tpu.sem_alloc : memref<!tpu.dma_semaphore, #tpu.memory_space<semaphore_mem>>
      %dma_start3A_257 = arith.constant 32 : i32
      %dma_start3A_258 = arith.constant 0 : i32
      %dma_start3A_259 = tpu.memref_slice %arg4[%add3A_256, %dma_start3A_257, %dma_start3A_258] : memref<256x64x768xf32, #tpu.memory_space<hbm>> -> memref<1x32x768xf32, #tpu.memory_space<hbm>>
      %dma_start3A_260 = tpu.memref_squeeze %dma_start3A_259 : memref<1x32x768xf32, #tpu.memory_space<hbm>> -> memref<32x768xf32, #tpu.memory_space<hbm>>
      %dma_start3A_261 = arith.constant 32 : i32
      %dma_start3A_262 = arith.constant 0 : i32
      %dma_start3A_263 = tpu.memref_slice %arg4[%add3A_256, %dma_start3A_261, %dma_start3A_262] : memref<256x64x768xf32, #tpu.memory_space<hbm>> -> memref<1x32x768xf32, #tpu.memory_space<hbm>>
      %dma_start3A_264 = tpu.memref_squeeze %dma_start3A_263 : memref<1x32x768xf32, #tpu.memory_space<hbm>> -> memref<32x768xf32, #tpu.memory_space<hbm>>
      tpu.enqueue_dma source(%arg6 : memref<32x768xf32, #tpu.memory_space<vmem>>) target(%dma_start3A_264 : memref<32x768xf32, #tpu.memory_space<hbm>>) target_semaphore(%run_scoped3A : memref<!tpu.dma_semaphore, #tpu.memory_space<semaphore_mem>>)
      %dma_wait3A_265 = arith.constant 32 : i32
      %dma_wait3A_266 = arith.constant 0 : i32
      %dma_wait3A_267 = tpu.memref_slice %arg4[%add3A_256, %dma_wait3A_265, %dma_wait3A_266] : memref<256x64x768xf32, #tpu.memory_space<hbm>> -> memref<1x32x768xf32, #tpu.memory_space<hbm>>
      %dma_wait3A_268 = tpu.memref_squeeze %dma_wait3A_267 : memref<1x32x768xf32, #tpu.memory_space<hbm>> -> memref<32x768xf32, #tpu.memory_space<hbm>>
      %dma_wait3A_269 = arith.constant 32 : i32
      %dma_wait3A_270 = arith.constant 0 : i32
      %dma_wait3A_271 = tpu.memref_slice %arg4[%add3A_256, %dma_wait3A_269, %dma_wait3A_270] : memref<256x64x768xf32, #tpu.memory_space<hbm>> -> memref<1x32x768xf32, #tpu.memory_space<hbm>>
      %dma_wait3A_272 = tpu.memref_squeeze %dma_wait3A_271 : memref<1x32x768xf32, #tpu.memory_space<hbm>> -> memref<32x768xf32, #tpu.memory_space<hbm>>
      tpu.wait_dma2 semaphore(%run_scoped3A : memref<!tpu.dma_semaphore, #tpu.memory_space<semaphore_mem>>) src(%arg6 : memref<32x768xf32, #tpu.memory_space<vmem>>) dst(%dma_wait3A_272 : memref<32x768xf32, #tpu.memory_space<hbm>>)
      tpu.yield
    }) : () -> ()
    return
  }
}

</mosaic_0001>

<sc_bundles>
// kernel: kernel.3.cloned.1.call-start
scs
__scs_entry_jumppad:
0x0: {  	(pc) =	sbr.rel $0x88, $3  }
0x1: {  	(tag) =	ssettag $0x0;
	lr =	simm.s32 $0x1  }
0x2: {  	[smem:$0x3FA0] =	sst lr;
	_ =	strace $0xD0000000  }
0x3: {  	_ = 	snop  }
0x4: {  	_ = 	snop  }
0x5: {  	_ = 	snop  }
0x6: {  	_ = 	snop  }
0x7: {  	_ = 	snop  }
__scs_overlays_trampoline_lowered:
0x8: {  	[smem:$0x3FAF] =	sst s0  }
0x9: {  	[smem:$0x3FB0] =	sst s1  }
0xa: {  	[smem:$0x3FB1] =	sst s2  }
0xb: {  	[smem:$0x3FB2] =	sst s3  }
0xc: {  	[smem:$0x3FB3] =	sst s4  }
0xd: {  	[smem:$0x3FB4] =	sst s5  }
0xe: {  	[smem:$0x3FB5] =	sst s6  }
0xf: {  	[smem:$0x3FB6] =	sst s7  }
0x10: {  	[smem:$0x3FB7] =	sst s8  }
0x11: {  	[smem:$0x3FB8] =	sst s9;
	s0 =	simm.s32 @!p0 $0x0  }
0x12: {  	s1 =	sld [smem:$0x3F9E];
	s0 =	simm.s32 @p0 $0x1  }
0x13: {  	[smem:$0x3FB9] =	sst s0;
	s0 =	simm.s32 @!p1 $0x0  }
0x14: {  	s2 =	sld [smem:$0x3F9D];
	s0 =	simm.s32 @p1 $0x1  }
0x15: {  	[smem:$0x3FBA] =	sst s0;
	s0 =	simm.s32 @!p2 $0x0  }
0x16: {  	s3 =	sld [smem:$0x3FDB];
	s0 =	simm.s32 @p2 $0x1  }
0x17: {  	s4 =	simm.s32 $0x1BF5;
	[smem:$0x3FBC] =	sst s0  }
0x18: {  	s0 =	sld [smem:$0x3F9F];
	_ =	swait.ge [sflag:s4], $0x0  }
0x19: {  	s7 =	sld [smem:$0x3FA0]  }
0x1a: {  	s8 =	sadd.s32 $0xFFFFE003, lr  }
0x1b: {  	s9 =	sadd.s32 $0xFFFFFEF7, lr;
	s5 =	simm.s32 $0xFFFFFFFF;
	p2 =	slt.u32 s8, $0xFFFFF086  }
0x1c: {  	p1 =	slt.u32 s9, $0xF7A;
	s5 =	simm.s32 @!p2 $0x0  }
0x1d: {  	s5 =	simm.s32 @p1 $0x1;
	p0 =	seq.s32 s7, s2  }
0x1e: {  	s7 =	smul.u32 @!p0 $0xF7A, s2;
	p2 =	seq.s32 @!p0 s5, $0x0  }
0x1f: {  	s9 =	smul.u32 $0xF7A, s1;
	s8 =	simm.s32 @!p0 $0x1BF5;
	p2 =	por !p2, p0  }
0x20: {  	[sflag:s8] =	ssyncset.s32 @!p0 $0xFFFFF086;
	s6 =	sadd.s32 @!p0 s3, s7;
	s7 =	simm.s32 @!p0 $0x108  }
0x21: {  	s3 =	sadd.s32 s3, s9;
	s6 =	sadd.s32 @!p0 $0x88, s6;
	s7 =	simm.s32 @p2 $0x1082  }
0x22: {  	[simem:s7], [sflag:s8] =	dma.local @!p0 [hbm:s6], $0xF7A  }
0x23: {  	s9 =	sor.u32 $0xD0000000, s2;
	s6 =	simm.s32 $0x108;
	_ =	swait.ge @!p0 [sflag:s8], $0x0  }
0x24: {  	s3 =	sadd.s32 $0x88, s3;
	s6 =	simm.s32 @!p1 $0x1082;
	[sflag:s4] =	ssyncset.s32 $0xFFFFF086  }
0x25: {  	[simem:s6], [sflag:s4] =	dma.local [hbm:s3], $0xF7A  }
0x26: {  	[smem:$0x3FA0] =	sst s1;
	(tag) =	ssettag s2;
	_ =	strace s9  }
0x27: {  	s1 =	sld [smem:$0x3FB0]  }
0x28: {  	s2 =	sld [smem:$0x3FB1]  }
0x29: {  	s4 =	sld [smem:$0x3FB3]  }
0x2a: {  	p0 =	seq.s32 s5, $0x0;
	s5 =	sld [smem:$0x3FB4]  }
0x2b: {  	s6 =	sld [smem:$0x3FB5]  }
0x2c: {  	s7 =	sld [smem:$0x3FB6]  }
0x2d: {  	s3 =	simm.s32 $0x108;
	s8 =	sld [smem:$0x3FB7]  }
0x2e: {  	s3 =	simm.s32 @!p0 $0x1082;
	s9 =	sld [smem:$0x3FB8]  }
0x2f: {  	lr =	sadd.s32 s0, s3;
	s0 =	sld [smem:$0x3FAF]  }
0x30: {  	s3 =	sld [smem:$0x3FB2]  }
0x31: {  	[smem:$0x3FBB] =	sst s10  }
0x32: {  	s10 =	sld [smem:$0x3FB9];
	_ =	sdelay $0x3  }
0x33: {  	p0 =	seq.s32 s10, $0x1;
	s10 =	sld [smem:$0x3FBB];
	_ =	sdelay $0x3  }
0x34: {  	[smem:$0x3FBB] =	sst s10  }
0x35: {  	s10 =	sld [smem:$0x3FBA];
	_ =	sdelay $0x3  }
0x36: {  	p1 =	seq.s32 s10, $0x1;
	s10 =	sld [smem:$0x3FBB];
	_ =	sdelay $0x3  }
0x37: {  	[smem:$0x3FBB] =	sst s10  }
0x38: {  	s10 =	sld [smem:$0x3FBC]  }
0x39: {  	_ = 	snop;
	(pc) =	sbr.ind lr, $3  }
0x3a: {  	_ = 	snop  }
0x3b: {  	_ = 	snop  }
0x3c: {  	p2 =	seq.s32 s10, $0x1;
	s10 =	sld [smem:$0x3FBB]  }
0x3d: {  	_ =	shalt  }
0x3e: {  	_ =	shalt  }
0x3f: {  	_ =	shalt  }
0x40: {  	_ =	shalt  }
0x41: {  	_ =	shalt  }
0x42: {  	_ =	shalt  }
0x43: {  	_ =	shalt  }
0x44: {  	_ =	shalt  }
0x45: {  	_ =	shalt  }
0x46: {  	_ =	shalt  }
0x47: {  	_ =	shalt  }
0x48: {  	_ =	shalt  }
0x49: {  	_ =	shalt  }
0x4a: {  	_ =	shalt  }
0x4b: {  	_ =	shalt  }
0x4c: {  	_ =	shalt  }
0x4d: {  	_ =	shalt  }
0x4e: {  	_ =	shalt  }
0x4f: {  	_ =	shalt  }
0x50: {  	_ =	shalt  }
0x51: {  	_ =	shalt  }
0x52: {  	_ =	shalt  }
0x53: {  	_ =	shalt  }
0x54: {  	_ =	shalt  }
0x55: {  	_ =	shalt  }
0x56: {  	_ =	shalt  }
0x57: {  	_ =	shalt  }
0x58: {  	_ =	shalt  }
0x59: {  	_ =	shalt  }
0x5a: {  	_ =	shalt  }
0x5b: {  	_ =	shalt  }
0x5c: {  	_ =	shalt  }
0x5d: {  	_ =	shalt  }
0x5e: {  	_ =	shalt  }
0x5f: {  	_ =	shalt  }
0x60: {  	_ =	shalt  }
0x61: {  	_ =	shalt  }
0x62: {  	_ =	shalt  }
0x63: {  	_ =	shalt  }
0x64: {  	_ =	shalt  }
0x65: {  	_ =	shalt  }
0x66: {  	_ =	shalt  }
0x67: {  	_ =	shalt  }
0x68: {  	_ =	shalt  }
0x69: {  	_ =	shalt  }
0x6a: {  	_ =	shalt  }
0x6b: {  	_ =	shalt  }
0x6c: {  	_ =	shalt  }
0x6d: {  	_ =	shalt  }
0x6e: {  	_ =	shalt  }
0x6f: {  	_ =	shalt  }
0x70: {  	_ =	shalt  }
0x71: {  	_ =	shalt  }
0x72: {  	_ =	shalt  }
0x73: {  	_ =	shalt  }
0x74: {  	_ =	shalt  }
0x75: {  	_ =	shalt  }
0x76: {  	_ =	shalt  }
0x77: {  	_ =	shalt  }
0x78: {  	_ =	shalt  }
0x79: {  	_ =	shalt  }
0x7a: {  	_ =	shalt  }
0x7b: {  	_ =	shalt  }
0x7c: {  	_ =	shalt  }
0x7d: {  	_ =	shalt  }
0x7e: {  	_ =	shalt  }
0x7f: {  	_ =	shalt  }
0x80: {  	_ =	shalt  }
0x81: {  	_ =	shalt  }
0x82: {  	_ =	shalt  }
0x83: {  	_ =	shalt  }
0x84: {  	_ =	shalt  }
0x85: {  	_ =	shalt  }
0x86: {  	_ =	shalt  }
0x87: {  	_ =	shalt  }
.Lfunc_end0:
.L_simem_size_0:
called_computation_lowered:
.L_overlay_start_0:
0x88: {  	s2 =	sld [smem:$0x3FD9]  }
0x89: {  	s3 =	sld [smem:$0x3FFE];
	_ =	sdelay $0x1  }
0x8a: {  	s1 =	srdreg.scid  }
0x8b: {  	s0 =	sand.u32 $0x1, s1  }
0x8c: {  	s15 =	sshll.u32 s0, $0xA;
	s2 =	sadd.s32 s3, s2  }
0x8d: {  	s2 =	sadd.s32 s2, s15  }
0x8e: {  	[smem:$0x3FC7] =	sst s2  }
0x8f: {  	_ = 	snop  }
0x90: {  	s2 =	sld [smem:$0x3FD0];
	_ =	sdelay $0x2  }
0x91: {  	s4 =	simm.s32 $0xA;
	s5 =	simm.s32 $0x10;
	s16 =	sld [smem:$0x3FC9]  }
0x92: {  	[smem:s5], [sflag:s4] =	dma.local [hbm:s2], $0x1  }
0x93: {  	_ =	swait.eq [sflag:s4], $0x1  }
0x94: {  	[sflag:s4] =	ssyncset.done $0x0  }
0x95: {  	s17 =	sld [smem:$0x10];
	[sflag:s4] =	ssyncadd.s32 $0xFFFFFFFF  }
0x96: {  	s18 =	sld [smem:$0x12];
	(tm) =	ssettm $0x1  }
0x97: {  	s19 =	sld [smem:$0x3FFB];
	_ =	sdelay $0x3  }
0x98: {  	_ =	strace s19  }
0x99: {  	s5 =	sld [smem:$0x3FFC];
	_ =	sdelay $0x3  }
0x9a: {  	_ =	strace s5  }
0x9b: {  	s5 =	sld [smem:$0x3FFD];
	_ =	sdelay $0x3  }
0x9c: {  	_ =	strace s5  }
0x9d: {  	_ =	strace $0x8FFFFFFF  }
0x9e: {  	s20 =	sld [smem:$0x3FDB];
	_ =	sdelay $0x1  }
0x9f: {  	s6 =	simm.s32 $_scs_section_size  }
0xa0: {  	s7 =	simm.s32 $_size__tile_overlayer_lowered;
	s8 =	simm.s32 $_tile_overlayer_lowered  }
0xa1: {  	s23 =	simm.s32 $0x1BFF;
	s22 =	sshll.u32 s8, $0x1;
	s5 =	sadd.s32 s6, s20  }
0xa2: {  	s9 =	simm.s32 $0x0;
	s21 =	sshll.u32 s7, $0x1;
	s7 =	sadd.s32 s22, s5  }
0xa3: {  	[timem:s9], [sflag:s23] =	dma.local [hbm:s7], s21  }
0xa4: {  	_ =	swait.ge [sflag:s23], s21  }
0xa5: {  	s6 =	ssub.s32 $0x0, s21;
	[sflag:s23] =	ssyncset.done $0x0  }
0xa6: {  	[sflag:s23] =	ssyncadd.s32 s6;
	_ =	sdelay $0x1  }
0xa7: {  	s24 =	simm.s32 $0x1B8B  }
0xa8: {  	_ =	swait.ge [sflag:s24], $0x1  }
0xa9: {  	[sflag:s24] =	ssyncset.done $0x0  }
0xaa: {  	s25 =	simm.s32 $0x1B8E;
	[sflag:s24] =	ssyncadd.s32 $0xFFFFFFFF  }
0xab: {  	s26 =	simm.s32 $execute0_lowered;
	[smem:$0x3FD2] =	sst s25  }
0xac: {  	s6 =	sshll.u32 s26, $0x1;
	_ =	strace $0x80000046;
	[dreg:$0x1] =	wrdreg $0xFFFFFFFF  }
0xad: {  	s28 =	simm.s32 $_size_execute0_lowered;
	s5 =	sadd.s32 s5, s6;
	[dreg:$0x0] =	wrdreg $0x0  }
0xae: {  	s6 =	sshll.u32 s28, $0x1;
	[dreg:$0x2] =	wrdreg s5  }
0xaf: {  	[dreg:$0x3] =	wrdreg s6  }
0xb0: {  	[dreg:$0x4] =	wrdreg $0xC0  }
0xb1: {  	_ =	task [dreg:s9], $0x5FFFF  }
0xb2: {  	[dreg:$0x1] =	wrdreg $0xFFFFFFFF  }
0xb3: {  	[dreg:$0x0] =	wrdreg $0x60  }
0xb4: {  	[dreg:$0x2] =	wrdreg s16  }
0xb5: {  	[dreg:$0x3] =	wrdreg s18  }
0xb6: {  	[dreg:$0x4] =	wrdreg s17  }
0xb7: {  	[dreg:$0x5] =	wrdreg $0x9  }
0xb8: {  	_ =	task.clear_ibuf [dreg:s9], $0x6FFFF;
	_ =	strace $0x90000046  }
0xb9: {  	s29 =	simm.s32 $0x9;
	_ =	strace $0x80000048  }
0xba: {  	_ =	swait.ge [sflag:s29], $0x1  }
0xbb: {  	[sflag:s29] =	ssyncadd.s32 $0xFFFFFFFF  }
0xbc: {  	_ =	strace $0x90000048  }
0xbd: {  	_ =	sfence  }
0xbe: {  	s30 =	sld [smem:$0x0];
	_ =	sdelay $0x2  }
0xbf: {  	s31 =	sshll.u32 s1, $0xD;
	s1 =	sshrl.u32 s1, $0x2  }
0xc0: {  	s3 =	sand.u32 $0x4000, s31;
	s1 =	sadd.s32 s1, s30  }
0xc1: {  	s0 =	sor.u32 s3, s0;
	s1 =	sshll.u32 s1, $0x11  }
0xc2: {  	s0 =	sor.u32 s1, s0  }
0xc3: {  	s0 =	sadd.s32 $0x8F2B, s0  }
0xc4: {  	[sflag:s0] =	ssyncadd.remote.s32 $0x1  }
0xc5: {  	_ =	sfence.sel $0xFFFF  }
0xc6: {  	[dreg:$0x0] =	wrdreg $0xFFFFFFFF;
	(pc) =	sbr.abs _section_cstart, $3  }
0xc7: {  	[dreg:$0x1] =	wrdreg $0xFFFFFFFF  }
0xc8: {  	_ =	task.clear_ibuf [dreg:s9], $0x2FFFF;
	_ =	strace $0x9FFFFFFF  }
0xc9: {  	(tm) =	ssettm $0x7FFFFFFF  }
tec
execute0_lowered:
.L_overlay_start_1:
0x0: {  	(tag) =	ssettag $0x1  }
0x1: {  	s0 =	srdreg.scid;
	s2 =	stileid.u32  }
0x2: {  	s0 =	sand.u32 $0x1, s0;
	s2 =	sshll.u32 s2, $0x1  }
0x3: {  	s1 =	rddreg [dreg:$0x0];
	s2 =	sor.u32 s0, s2  }
0x4: {  	s4 =	rddreg [dreg:$0x1];
	s6 =	smul.u32 $0x60000, s2  }
0x5: {  	s5 =	rddreg [dreg:$0x2];
	s3 =	simm.s32 $0x0;
	s2 =	sshll.u32 s2, $0x8  }
0x6: {  	[smem:$0x7FF] =	sst s3;
	s2 =	sadd.s32 s4, s2;
	s6 =	sshrl.u32 s6, $0x3  }
0x7: {  	_ =	strace $0x80000047;
	[dreg:$0x4] =	wrdreg s2;
	s6 =	sadd.s32 s5, s6  }
0x8: {  	s11 =	sadd.s32 $0xC00, s6;
	[dreg:$0x14] =	wrdreg s6  }
0x9: {  	s12 =	sadd.s32 $0x1800, s6;
	[dreg:$0x5] =	wrdreg s11  }
0xa: {  	s13 =	sadd.s32 $0x2400, s6;
	[dreg:$0x6] =	wrdreg s12  }
0xb: {  	s8 =	simm.s32 $0x6;
	s14 =	sadd.s32 $0x3000, s6;
	[dreg:$0x7] =	wrdreg s13  }
0xc: {  	s28 =	simm.s32 $0x1;
	s15 =	sadd.s32 $0x3C00, s6;
	[dreg:$0x8] =	wrdreg s14  }
0xd: {  	s29 =	simm.s32 $0x2;
	s16 =	sadd.s32 $0x4800, s6;
	[dreg:$0x9] =	wrdreg s15  }
0xe: {  	s30 =	simm.s32 $0x3;
	s17 =	sadd.s32 $0x5400, s6;
	[dreg:$0xa] =	wrdreg s16  }
0xf: {  	s31 =	simm.s32 $0x4;
	s18 =	sadd.s32 $0x6000, s6;
	[dreg:$0xb] =	wrdreg s17  }
0x10: {  	s9 =	simm.s32 $0x12800;
	s19 =	sadd.s32 $0x6C00, s6;
	[dreg:$0xc] =	wrdreg s18  }
0x11: {  	s0 =	ssub.s32 $0x2, s0;
	s20 =	sadd.s32 $0x7800, s6;
	[dreg:$0xd] =	wrdreg s19  }
0x12: {  	s23 =	sshrl.u32 s0, $0x1;
	s21 =	sadd.s32 $0x8400, s6;
	[dreg:$0xe] =	wrdreg s20  }
0x13: {  	s0 =	ssub.s32 s0, s23;
	s22 =	sadd.s32 $0x9000, s6;
	[dreg:$0xf] =	wrdreg s21  }
0x14: {  	s4 =	simm.s32 $0x6800;
	s24 =	sadd.s32 $0x9C00, s6;
	[dreg:$0x10] =	wrdreg s22  }
0x15: {  	s7 =	smax.u32 s0, $0x1;
	s25 =	sadd.s32 $0xA800, s6;
	[dreg:$0x11] =	wrdreg s24  }
0x16: {  	v2 =	vlaneseq.u32;
	s2 =	simm.s32 $0x5;
	s26 =	sadd.s32 $0xB400, s6;
	[dreg:$0x12] =	wrdreg s25  }
0x17: {  	vm0 =	vmmov $0xffff;
	v1 =	vshrl.u32 v2, $0x3;
	s5 =	sadd.s32 $0x100, s1;
	s6 =	sadd.s32 $0x200, s1;
	[dreg:$0x13] =	wrdreg s26  }
0x18: {  	v0 =	vand.u32 $0x7, v2;
	v2 =	vor.u32 $0x8, v2;
	v1 =	vmul.u32 $0x8, v1;
	s19 =	simm.s32 $0x800;
	s22 =	simm.s32 $0xC800;
	s18 =	simm.s32 $0x18800  }
.LBB2_1:
0x19: {  	s0 =	rddreg [dreg:$0x4]  }
0x1a: {  	[tilespmem:s3], [sflag:$0x6] =	stream.linear.gather [hbm4b:s0+s3], $0x800, $0x38;
	[tilespmem:$0x1E800] =	vst v63  }
0x1b: {  	_ =	swait.ge [sflag:s8], $0x800  }
0x1c: {  	[sflag:s8] =	ssyncset.done $0x0  }
0x1d: {  	[sflag:s8] =	ssyncadd.s32 $0xFFFFF800  }
0x1e: {  	v3 =	vld [tilespmem:$0x0];
	_ =	sdelay $0x4  }
0x1f: {  	v4 =	vshrl.u32 v3, $0x3  }
0x20: {  	v4 =	vmul.u32 $0x30, v4  }
0x21: {  	v3 =	vand.u32 $0x7, v3  }
0x22: {  	v3 =	vor.u32 v3, v4  }
0x23: {  	v4 =	vperm.xlane v3, v0;
	_ =	sdelay $0x1  }
0x24: {  	v4 =	vadd.s32 v1, v4;
	_ =	sdelay $0x3  }
0x25: {  	v3 =	vperm.xlane v3, v2  }
0x26: {  	[tilespmem:s19], [sflag:$0x1] =	stream.indirect_vreg.gather [hbm4b:s1+s3], $0x80, v4, vm0, $0xb8;
	[tilespmem:$0x1E800] =	vst v63  }
0x27: {  	s11 =	simm.s32 $0x1000;
	v3 =	vadd.s32 v1, v3  }
0x28: {  	[tilespmem:s11], [sflag:$0x1] =	stream.indirect_vreg.gather [hbm4b:s5+s3], $0x80, v4, vm0, $0xb8;
	[tilespmem:$0x1E800] =	vst v63  }
0x29: {  	s12 =	simm.s32 $0x1800  }
0x2a: {  	[tilespmem:s12], [sflag:$0x1] =	stream.indirect_vreg.gather [hbm4b:s6+s3], $0x80, v4, vm0, $0xb8;
	[tilespmem:$0x1E800] =	vst v63  }
0x2b: {  	s13 =	simm.s32 $0x2000  }
0x2c: {  	[tilespmem:s13], [sflag:$0x1] =	stream.indirect_vreg.gather [hbm4b:s1+s3], $0x80, v3, vm0, $0xb8;
	[tilespmem:$0x1E800] =	vst v63  }
0x2d: {  	s14 =	simm.s32 $0x2800  }
0x2e: {  	[tilespmem:s14], [sflag:$0x1] =	stream.indirect_vreg.gather [hbm4b:s5+s3], $0x80, v3, vm0, $0xb8;
	[tilespmem:$0x1E800] =	vst v63  }
0x2f: {  	s15 =	simm.s32 $0x3000  }
0x30: {  	[tilespmem:s15], [sflag:$0x1] =	stream.indirect_vreg.gather [hbm4b:s6+s3], $0x80, v3, vm0, $0xb8;
	[tilespmem:$0x1E800] =	vst v63  }
0x31: {  	v3 =	vld [tilespmem:$0x10];
	_ =	sdelay $0x4  }
0x32: {  	v33 =	vshrl.u32 v3, $0x3  }
0x33: {  	v4 =	vmul.u32 $0x30, v33  }
0x34: {  	v3 =	vand.u32 $0x7, v3  }
0x35: {  	v3 =	vor.u32 v3, v4  }
0x36: {  	v4 =	vperm.xlane v3, v0;
	_ =	sdelay $0x1  }
0x37: {  	v4 =	vadd.s32 v1, v4;
	_ =	sdelay $0x3  }
0x38: {  	s16 =	simm.s32 $0x3800;
	v3 =	vperm.xlane v3, v2  }
0x39: {  	[tilespmem:s16], [sflag:$0x1] =	stream.indirect_vreg.gather [hbm4b:s1+s3], $0x80, v4, vm0, $0xb8;
	[tilespmem:$0x1E800] =	vst v63  }
0x3a: {  	s17 =	simm.s32 $0x4000;
	v3 =	vadd.s32 v1, v3  }
0x3b: {  	[tilespmem:s17], [sflag:$0x1] =	stream.indirect_vreg.gather [hbm4b:s5+s3], $0x80, v4, vm0, $0xb8;
	[tilespmem:$0x1E800] =	vst v63  }
0x3c: {  	s24 =	simm.s32 $0x4800  }
0x3d: {  	[tilespmem:s24], [sflag:$0x1] =	stream.indirect_vreg.gather [hbm4b:s6+s3], $0x80, v4, vm0, $0xb8;
	[tilespmem:$0x1E800] =	vst v63  }
0x3e: {  	s25 =	simm.s32 $0x5000  }
0x3f: {  	[tilespmem:s25], [sflag:$0x1] =	stream.indirect_vreg.gather [hbm4b:s1+s3], $0x80, v3, vm0, $0xb8;
	[tilespmem:$0x1E800] =	vst v63  }
0x40: {  	s26 =	simm.s32 $0x5800  }
0x41: {  	[tilespmem:s26], [sflag:$0x1] =	stream.indirect_vreg.gather [hbm4b:s5+s3], $0x80, v3, vm0, $0xb8;
	[tilespmem:$0x1E800] =	vst v63  }
0x42: {  	s12 =	simm.s32 $0x6000  }
0x43: {  	[tilespmem:s12], [sflag:$0x1] =	stream.indirect_vreg.gather [hbm4b:s6+s3], $0x80, v3, vm0, $0xb8;
	[tilespmem:$0x1E800] =	vst v63  }
0x44: {  	v3 =	vld [tilespmem:$0x80];
	_ =	sdelay $0x4  }
0x45: {  	v34 =	vshrl.u32 v3, $0x3  }
0x46: {  	v4 =	vmul.u32 $0x30, v34  }
0x47: {  	v3 =	vand.u32 $0x7, v3  }
0x48: {  	v3 =	vor.u32 v3, v4  }
0x49: {  	v4 =	vperm.xlane v3, v0;
	_ =	sdelay $0x1  }
0x4a: {  	v4 =	vadd.s32 v1, v4;
	_ =	sdelay $0x3  }
0x4b: {  	v3 =	vperm.xlane v3, v2  }
0x4c: {  	[tilespmem:s4], [sflag:$0x2] =	stream.indirect_vreg.gather [hbm4b:s1+s3], $0x80, v4, vm0, $0xb8;
	[tilespmem:$0x1E800] =	vst v63  }
0x4d: {  	s24 =	simm.s32 $0x7000;
	v3 =	vadd.s32 v1, v3  }
0x4e: {  	[tilespmem:s24], [sflag:$0x2] =	stream.indirect_vreg.gather [hbm4b:s5+s3], $0x80, v4, vm0, $0xb8;
	[tilespmem:$0x1E800] =	vst v63  }
0x4f: {  	s25 =	simm.s32 $0x7800  }
0x50: {  	[tilespmem:s25], [sflag:$0x2] =	stream.indirect_vreg.gather [hbm4b:s6+s3], $0x80, v4, vm0, $0xb8;
	[tilespmem:$0x1E800] =	vst v63  }
0x51: {  	s26 =	simm.s32 $0x8000  }
0x52: {  	[tilespmem:s26], [sflag:$0x2] =	stream.indirect_vreg.gather [hbm4b:s1+s3], $0x80, v3, vm0, $0xb8;
	[tilespmem:$0x1E800] =	vst v63  }
0x53: {  	s24 =	simm.s32 $0x8800  }
0x54: {  	[tilespmem:s24], [sflag:$0x2] =	stream.indirect_vreg.gather [hbm4b:s5+s3], $0x80, v3, vm0, $0xb8;
	[tilespmem:$0x1E800] =	vst v63  }
0x55: {  	s25 =	simm.s32 $0x9000  }
0x56: {  	[tilespmem:s25], [sflag:$0x2] =	stream.indirect_vreg.gather [hbm4b:s6+s3], $0x80, v3, vm0, $0xb8;
	[tilespmem:$0x1E800] =	vst v63  }
0x57: {  	v3 =	vld [tilespmem:$0x90];
	_ =	sdelay $0x4  }
0x58: {  	v35 =	vshrl.u32 v3, $0x3  }
0x59: {  	v4 =	vmul.u32 $0x30, v35  }
0x5a: {  	v3 =	vand.u32 $0x7, v3  }
0x5b: {  	v3 =	vor.u32 v3, v4  }
0x5c: {  	v4 =	vperm.xlane v3, v0;
	_ =	sdelay $0x1  }
0x5d: {  	v4 =	vadd.s32 v1, v4;
	_ =	sdelay $0x3  }
0x5e: {  	s26 =	simm.s32 $0x9800;
	v3 =	vperm.xlane v3, v2  }
0x5f: {  	[tilespmem:s26], [sflag:$0x2] =	stream.indirect_vreg.gather [hbm4b:s1+s3], $0x80, v4, vm0, $0xb8;
	[tilespmem:$0x1E800] =	vst v63  }
0x60: {  	s25 =	simm.s32 $0xA000;
	v3 =	vadd.s32 v1, v3  }
0x61: {  	[tilespmem:s25], [sflag:$0x2] =	stream.indirect_vreg.gather [hbm4b:s5+s3], $0x80, v4, vm0, $0xb8;
	[tilespmem:$0x1E800] =	vst v63  }
0x62: {  	s25 =	simm.s32 $0xA800  }
0x63: {  	[tilespmem:s25], [sflag:$0x2] =	stream.indirect_vreg.gather [hbm4b:s6+s3], $0x80, v4, vm0, $0xb8;
	[tilespmem:$0x1E800] =	vst v63  }
0x64: {  	s25 =	simm.s32 $0xB000  }
0x65: {  	[tilespmem:s25], [sflag:$0x2] =	stream.indirect_vreg.gather [hbm4b:s1+s3], $0x80, v3, vm0, $0xb8;
	[tilespmem:$0x1E800] =	vst v63  }
0x66: {  	s25 =	simm.s32 $0xB800  }
0x67: {  	[tilespmem:s25], [sflag:$0x2] =	stream.indirect_vreg.gather [hbm4b:s5+s3], $0x80, v3, vm0, $0xb8;
	[tilespmem:$0x1E800] =	vst v63  }
0x68: {  	s25 =	simm.s32 $0xC000  }
0x69: {  	[tilespmem:s25], [sflag:$0x2] =	stream.indirect_vreg.gather [hbm4b:s6+s3], $0x80, v3, vm0, $0xb8;
	[tilespmem:$0x1E800] =	vst v63  }
0x6a: {  	v3 =	vld [tilespmem:$0x100];
	_ =	sdelay $0x4  }
0x6b: {  	v36 =	vshrl.u32 v3, $0x3  }
0x6c: {  	v4 =	vmul.u32 $0x30, v36  }
0x6d: {  	v3 =	vand.u32 $0x7, v3  }
0x6e: {  	v3 =	vor.u32 v3, v4  }
0x6f: {  	v4 =	vperm.xlane v3, v0;
	_ =	sdelay $0x1  }
0x70: {  	v4 =	vadd.s32 v1, v4;
	_ =	sdelay $0x3  }
0x71: {  	v3 =	vperm.xlane v3, v2  }
0x72: {  	[tilespmem:s22], [sflag:$0x3] =	stream.indirect_vreg.gather [hbm4b:s1+s3], $0x80, v4, vm0, $0xb8;
	[tilespmem:$0x1E800] =	vst v63  }
0x73: {  	s0 =	simm.s32 $0xD000;
	v3 =	vadd.s32 v1, v3  }
0x74: {  	[tilespmem:s0], [sflag:$0x3] =	stream.indirect_vreg.gather [hbm4b:s5+s3], $0x80, v4, vm0, $0xb8;
	[tilespmem:$0x1E800] =	vst v63  }
0x75: {  	s0 =	simm.s32 $0xD800  }
0x76: {  	[tilespmem:s0], [sflag:$0x3] =	stream.indirect_vreg.gather [hbm4b:s6+s3], $0x80, v4, vm0, $0xb8;
	[tilespmem:$0x1E800] =	vst v63  }
0x77: {  	s0 =	simm.s32 $0xE000  }
0x78: {  	[tilespmem:s0], [sflag:$0x3] =	stream.indirect_vreg.gather [hbm4b:s1+s3], $0x80, v3, vm0, $0xb8;
	[tilespmem:$0x1E800] =	vst v63  }
0x79: {  	s0 =	simm.s32 $0xE800  }
0x7a: {  	[tilespmem:s0], [sflag:$0x3] =	stream.indirect_vreg.gather [hbm4b:s5+s3], $0x80, v3, vm0, $0xb8;
	[tilespmem:$0x1E800] =	vst v63  }
0x7b: {  	s0 =	simm.s32 $0xF000  }
0x7c: {  	[tilespmem:s0], [sflag:$0x3] =	stream.indirect_vreg.gather [hbm4b:s6+s3], $0x80, v3, vm0, $0xb8;
	[tilespmem:$0x1E800] =	vst v63  }
0x7d: {  	v3 =	vld [tilespmem:$0x110];
	_ =	sdelay $0x4  }
0x7e: {  	v37 =	vshrl.u32 v3, $0x3  }
0x7f: {  	v4 =	vmul.u32 $0x30, v37  }
0x80: {  	v3 =	vand.u32 $0x7, v3  }
0x81: {  	v3 =	vor.u32 v3, v4  }
0x82: {  	v4 =	vperm.xlane v3, v0;
	_ =	sdelay $0x1  }
0x83: {  	v4 =	vadd.s32 v1, v4;
	_ =	sdelay $0x3  }
0x84: {  	s0 =	simm.s32 $0xF800;
	v3 =	vperm.xlane v3, v2  }
0x85: {  	[tilespmem:s0], [sflag:$0x3] =	stream.indirect_vreg.gather [hbm4b:s1+s3], $0x80, v4, vm0, $0xb8;
	[tilespmem:$0x1E800] =	vst v63  }
0x86: {  	v3 =	vadd.s32 v1, v3;
	s0 =	simm.s32 $0x10000  }
0x87: {  	[tilespmem:s0], [sflag:$0x3] =	stream.indirect_vreg.gather [hbm4b:s5+s3], $0x80, v4, vm0, $0xb8;
	[tilespmem:$0x1E800] =	vst v63  }
0x88: {  	s0 =	simm.s32 $0x10800  }
0x89: {  	[tilespmem:s0], [sflag:$0x3] =	stream.indirect_vreg.gather [hbm4b:s6+s3], $0x80, v4, vm0, $0xb8;
	[tilespmem:$0x1E800] =	vst v63  }
0x8a: {  	s0 =	simm.s32 $0x11000  }
0x8b: {  	[tilespmem:s0], [sflag:$0x3] =	stream.indirect_vreg.gather [hbm4b:s1+s3], $0x80, v3, vm0, $0xb8;
	[tilespmem:$0x1E800] =	vst v63  }
0x8c: {  	s0 =	simm.s32 $0x11800  }
0x8d: {  	[tilespmem:s0], [sflag:$0x3] =	stream.indirect_vreg.gather [hbm4b:s5+s3], $0x80, v3, vm0, $0xb8;
	[tilespmem:$0x1E800] =	vst v63  }
0x8e: {  	s0 =	simm.s32 $0x12000  }
0x8f: {  	[tilespmem:s0], [sflag:$0x3] =	stream.indirect_vreg.gather [hbm4b:s6+s3], $0x80, v3, vm0, $0xb8;
	[tilespmem:$0x1E800] =	vst v63  }
0x90: {  	v3 =	vld [tilespmem:$0x180];
	_ =	sdelay $0x4  }
0x91: {  	v38 =	vshrl.u32 v3, $0x3  }
0x92: {  	v4 =	vmul.u32 $0x30, v38  }
0x93: {  	v3 =	vand.u32 $0x7, v3  }
0x94: {  	v3 =	vor.u32 v3, v4  }
0x95: {  	v4 =	vperm.xlane v3, v0;
	_ =	sdelay $0x1  }
0x96: {  	v4 =	vadd.s32 v1, v4;
	_ =	sdelay $0x3  }
0x97: {  	v3 =	vperm.xlane v3, v2  }
0x98: {  	[tilespmem:s9], [sflag:$0x4] =	stream.indirect_vreg.gather [hbm4b:s1+s3], $0x80, v4, vm0, $0xb8;
	[tilespmem:$0x1E800] =	vst v63  }
0x99: {  	s0 =	simm.s32 $0x13000;
	v3 =	vadd.s32 v1, v3  }
0x9a: {  	[tilespmem:s0], [sflag:$0x4] =	stream.indirect_vreg.gather [hbm4b:s5+s3], $0x80, v4, vm0, $0xb8;
	[tilespmem:$0x1E800] =	vst v63  }
0x9b: {  	s0 =	simm.s32 $0x13800  }
0x9c: {  	[tilespmem:s0], [sflag:$0x4] =	stream.indirect_vreg.gather [hbm4b:s6+s3], $0x80, v4, vm0, $0xb8;
	[tilespmem:$0x1E800] =	vst v63  }
0x9d: {  	s0 =	simm.s32 $0x14000  }
0x9e: {  	[tilespmem:s0], [sflag:$0x4] =	stream.indirect_vreg.gather [hbm4b:s1+s3], $0x80, v3, vm0, $0xb8;
	[tilespmem:$0x1E800] =	vst v63  }
0x9f: {  	s0 =	simm.s32 $0x14800  }
0xa0: {  	[tilespmem:s0], [sflag:$0x4] =	stream.indirect_vreg.gather [hbm4b:s5+s3], $0x80, v3, vm0, $0xb8;
	[tilespmem:$0x1E800] =	vst v63  }
0xa1: {  	s0 =	simm.s32 $0x15000  }
0xa2: {  	[tilespmem:s0], [sflag:$0x4] =	stream.indirect_vreg.gather [hbm4b:s6+s3], $0x80, v3, vm0, $0xb8;
	[tilespmem:$0x1E800] =	vst v63  }
0xa3: {  	v3 =	vld [tilespmem:$0x190];
	_ =	sdelay $0x4  }
0xa4: {  	v39 =	vshrl.u32 v3, $0x3  }
0xa5: {  	v4 =	vmul.u32 $0x30, v39  }
0xa6: {  	v3 =	vand.u32 $0x7, v3  }
0xa7: {  	v3 =	vor.u32 v3, v4  }
0xa8: {  	v4 =	vperm.xlane v3, v0;
	_ =	sdelay $0x1  }
0xa9: {  	v4 =	vadd.s32 v1, v4;
	_ =	sdelay $0x3  }
0xaa: {  	s0 =	simm.s32 $0x15800;
	v3 =	vperm.xlane v3, v2  }
0xab: {  	[tilespmem:s0], [sflag:$0x4] =	stream.indirect_vreg.gather [hbm4b:s1+s3], $0x80, v4, vm0, $0xb8;
	[tilespmem:$0x1E800] =	vst v63  }
0xac: {  	v3 =	vadd.s32 v1, v3;
	s0 =	simm.s32 $0x16000  }
0xad: {  	[tilespmem:s0], [sflag:$0x4] =	stream.indirect_vreg.gather [hbm4b:s5+s3], $0x80, v4, vm0, $0xb8;
	[tilespmem:$0x1E800] =	vst v63  }
0xae: {  	s0 =	simm.s32 $0x16800  }
0xaf: {  	[tilespmem:s0], [sflag:$0x4] =	stream.indirect_vreg.gather [hbm4b:s6+s3], $0x80, v4, vm0, $0xb8;
	[tilespmem:$0x1E800] =	vst v63  }
0xb0: {  	s0 =	simm.s32 $0x17000  }
0xb1: {  	[tilespmem:s0], [sflag:$0x4] =	stream.indirect_vreg.gather [hbm4b:s1+s3], $0x80, v3, vm0, $0xb8;
	[tilespmem:$0x1E800] =	vst v63  }
0xb2: {  	s0 =	simm.s32 $0x17800  }
0xb3: {  	[tilespmem:s0], [sflag:$0x4] =	stream.indirect_vreg.gather [hbm4b:s5+s3], $0x80, v3, vm0, $0xb8;
	[tilespmem:$0x1E800] =	vst v63  }
0xb4: {  	s0 =	simm.s32 $0x18000  }
0xb5: {  	[tilespmem:s0], [sflag:$0x4] =	stream.indirect_vreg.gather [hbm4b:s6+s3], $0x80, v3, vm0, $0xb8;
	[tilespmem:$0x1E800] =	vst v63  }
0xb6: {  	v3 =	vld [tilespmem:$0x200];
	_ =	sdelay $0x4  }
0xb7: {  	v40 =	vshrl.u32 v3, $0x3  }
0xb8: {  	v4 =	vmul.u32 $0x30, v40  }
0xb9: {  	v3 =	vand.u32 $0x7, v3  }
0xba: {  	v3 =	vor.u32 v3, v4  }
0xbb: {  	v4 =	vperm.xlane v3, v0;
	_ =	sdelay $0x1  }
0xbc: {  	v4 =	vadd.s32 v1, v4;
	_ =	sdelay $0x3  }
0xbd: {  	v3 =	vperm.xlane v3, v2  }
0xbe: {  	[tilespmem:s18], [sflag:$0x5] =	stream.indirect_vreg.gather [hbm4b:s1+s3], $0x80, v4, vm0, $0xb8;
	[tilespmem:$0x1E800] =	vst v63  }
0xbf: {  	s0 =	simm.s32 $0x19000;
	v3 =	vadd.s32 v1, v3  }
0xc0: {  	[tilespmem:s0], [sflag:$0x5] =	stream.indirect_vreg.gather [hbm4b:s5+s3], $0x80, v4, vm0, $0xb8;
	[tilespmem:$0x1E800] =	vst v63  }
0xc1: {  	s0 =	simm.s32 $0x19800  }
0xc2: {  	[tilespmem:s0], [sflag:$0x5] =	stream.indirect_vreg.gather [hbm4b:s6+s3], $0x80, v4, vm0, $0xb8;
	[tilespmem:$0x1E800] =	vst v63  }
0xc3: {  	s0 =	simm.s32 $0x1A000  }
0xc4: {  	[tilespmem:s0], [sflag:$0x5] =	stream.indirect_vreg.gather [hbm4b:s1+s3], $0x80, v3, vm0, $0xb8;
	[tilespmem:$0x1E800] =	vst v63  }
0xc5: {  	s0 =	simm.s32 $0x1A800  }
0xc6: {  	[tilespmem:s0], [sflag:$0x5] =	stream.indirect_vreg.gather [hbm4b:s5+s3], $0x80, v3, vm0, $0xb8;
	[tilespmem:$0x1E800] =	vst v63  }
0xc7: {  	s0 =	simm.s32 $0x1B000  }
0xc8: {  	[tilespmem:s0], [sflag:$0x5] =	stream.indirect_vreg.gather [hbm4b:s6+s3], $0x80, v3, vm0, $0xb8;
	[tilespmem:$0x1E800] =	vst v63  }
0xc9: {  	v3 =	vld [tilespmem:$0x210];
	_ =	sdelay $0x4  }
0xca: {  	v41 =	vshrl.u32 v3, $0x3  }
0xcb: {  	v4 =	vmul.u32 $0x30, v41  }
0xcc: {  	v3 =	vand.u32 $0x7, v3  }
0xcd: {  	v3 =	vor.u32 v3, v4  }
0xce: {  	v4 =	vperm.xlane v3, v0;
	_ =	sdelay $0x1  }
0xcf: {  	v4 =	vadd.s32 v1, v4;
	_ =	sdelay $0x3  }
0xd0: {  	s0 =	simm.s32 $0x1B800;
	v3 =	vperm.xlane v3, v2  }
0xd1: {  	[tilespmem:s0], [sflag:$0x5] =	stream.indirect_vreg.gather [hbm4b:s1+s3], $0x80, v4, vm0, $0xb8;
	[tilespmem:$0x1E800] =	vst v63  }
0xd2: {  	v3 =	vadd.s32 v1, v3;
	s0 =	simm.s32 $0x1C000  }
0xd3: {  	[tilespmem:s0], [sflag:$0x5] =	stream.indirect_vreg.gather [hbm4b:s5+s3], $0x80, v4, vm0, $0xb8;
	[tilespmem:$0x1E800] =	vst v63  }
0xd4: {  	s0 =	simm.s32 $0x1C800  }
0xd5: {  	[tilespmem:s0], [sflag:$0x5] =	stream.indirect_vreg.gather [hbm4b:s6+s3], $0x80, v4, vm0, $0xb8;
	[tilespmem:$0x1E800] =	vst v63  }
0xd6: {  	s0 =	simm.s32 $0x1D000  }
0xd7: {  	[tilespmem:s0], [sflag:$0x5] =	stream.indirect_vreg.gather [hbm4b:s1+s3], $0x80, v3, vm0, $0xb8;
	[tilespmem:$0x1E800] =	vst v63  }
0xd8: {  	s0 =	simm.s32 $0x1D800  }
0xd9: {  	[tilespmem:s0], [sflag:$0x5] =	stream.indirect_vreg.gather [hbm4b:s5+s3], $0x80, v3, vm0, $0xb8;
	[tilespmem:$0x1E800] =	vst v63  }
0xda: {  	s0 =	simm.s32 $0x1E000  }
0xdb: {  	[tilespmem:s0], [sflag:$0x5] =	stream.indirect_vreg.gather [hbm4b:s6+s3], $0x80, v3, vm0, $0xb8;
	[tilespmem:$0x1E800] =	vst v63  }
0xdc: {  	_ =	swait.ge [sflag:s28], $0x6000  }
0xdd: {  	[sflag:s28] =	ssyncset.done $0x0  }
0xde: {  	s0 =	rddreg [dreg:$0x14];
	[sflag:s28] =	ssyncadd.s32 $0xFFFFA000  }
0xdf: {  	[hbm4b:s0+s3] =	stream.linear.scatter [tilespmem:s19], [sflag:$0x6], $0x6000, $0x38;
	[tilespmem:$0x1E800] =	vst v63  }
0xe0: {  	_ =	swait.ge [sflag:s8], $0x6000  }
0xe1: {  	[sflag:s8] =	ssyncset.done $0x0  }
0xe2: {  	[sflag:s8] =	ssyncadd.s32 $0xFFFFA000  }
0xe3: {  	v3 =	vld [tilespmem:$0x280];
	_ =	sdelay $0x4  }
0xe4: {  	v42 =	vshrl.u32 v3, $0x3  }
0xe5: {  	v4 =	vmul.u32 $0x30, v42  }
0xe6: {  	v3 =	vand.u32 $0x7, v3  }
0xe7: {  	v3 =	vor.u32 v3, v4  }
0xe8: {  	v4 =	vperm.xlane v3, v0;
	_ =	sdelay $0x1  }
0xe9: {  	v4 =	vadd.s32 v1, v4;
	_ =	sdelay $0x3  }
0xea: {  	v3 =	vperm.xlane v3, v2  }
0xeb: {  	[tilespmem:s19], [sflag:$0x1] =	stream.indirect_vreg.gather [hbm4b:s1+s3], $0x80, v4, vm0, $0xb8;
	[tilespmem:$0x1E800] =	vst v63  }
0xec: {  	s20 =	simm.s32 $0x1000;
	v3 =	vadd.s32 v1, v3  }
0xed: {  	[tilespmem:s20], [sflag:$0x1] =	stream.indirect_vreg.gather [hbm4b:s5+s3], $0x80, v4, vm0, $0xb8;
	[tilespmem:$0x1E800] =	vst v63  }
0xee: {  	s21 =	simm.s32 $0x1800  }
0xef: {  	[tilespmem:s21], [sflag:$0x1] =	stream.indirect_vreg.gather [hbm4b:s6+s3], $0x80, v4, vm0, $0xb8;
	[tilespmem:$0x1E800] =	vst v63  }
0xf0: {  	s23 =	simm.s32 $0x2000  }
0xf1: {  	[tilespmem:s23], [sflag:$0x1] =	stream.indirect_vreg.gather [hbm4b:s1+s3], $0x80, v3, vm0, $0xb8;
	[tilespmem:$0x1E800] =	vst v63  }
0xf2: {  	s13 =	simm.s32 $0x2800  }
0xf3: {  	[tilespmem:s13], [sflag:$0x1] =	stream.indirect_vreg.gather [hbm4b:s5+s3], $0x80, v3, vm0, $0xb8;
	[tilespmem:$0x1E800] =	vst v63  }
0xf4: {  	s10 =	simm.s32 $0x3000  }
0xf5: {  	[tilespmem:s10], [sflag:$0x1] =	stream.indirect_vreg.gather [hbm4b:s6+s3], $0x80, v3, vm0, $0xb8;
	[tilespmem:$0x1E800] =	vst v63  }
0xf6: {  	v3 =	vld [tilespmem:$0x290];
	_ =	sdelay $0x4  }
0xf7: {  	v43 =	vshrl.u32 v3, $0x3  }
0xf8: {  	v4 =	vmul.u32 $0x30, v43  }
0xf9: {  	v3 =	vand.u32 $0x7, v3  }
0xfa: {  	v3 =	vor.u32 v3, v4  }
0xfb: {  	v4 =	vperm.xlane v3, v0;
	_ =	sdelay $0x1  }
0xfc: {  	v4 =	vadd.s32 v1, v4;
	_ =	sdelay $0x3  }
0xfd: {  	s11 =	simm.s32 $0x3800;
	v3 =	vperm.xlane v3, v2  }
0xfe: {  	[tilespmem:s11], [sflag:$0x1] =	stream.indirect_vreg.gather [hbm4b:s1+s3], $0x80, v4, vm0, $0xb8;
	[tilespmem:$0x1E800] =	vst v63  }
0xff: {  	s14 =	simm.s32 $0x4000;
	v3 =	vadd.s32 v1, v3  }
0x100: {  	[tilespmem:s14], [sflag:$0x1] =	stream.indirect_vreg.gather [hbm4b:s5+s3], $0x80, v4, vm0, $0xb8;
	[tilespmem:$0x1E800] =	vst v63  }
0x101: {  	s15 =	simm.s32 $0x4800  }
0x102: {  	[tilespmem:s15], [sflag:$0x1] =	stream.indirect_vreg.gather [hbm4b:s6+s3], $0x80, v4, vm0, $0xb8;
	[tilespmem:$0x1E800] =	vst v63  }
0x103: {  	s16 =	simm.s32 $0x5000  }
0x104: {  	[tilespmem:s16], [sflag:$0x1] =	stream.indirect_vreg.gather [hbm4b:s1+s3], $0x80, v3, vm0, $0xb8;
	[tilespmem:$0x1E800] =	vst v63  }
0x105: {  	s17 =	simm.s32 $0x5800  }
0x106: {  	[tilespmem:s17], [sflag:$0x1] =	stream.indirect_vreg.gather [hbm4b:s5+s3], $0x80, v3, vm0, $0xb8;
	[tilespmem:$0x1E800] =	vst v63  }
0x107: {  	s12 =	simm.s32 $0x6000  }
0x108: {  	[tilespmem:s12], [sflag:$0x1] =	stream.indirect_vreg.gather [hbm4b:s6+s3], $0x80, v3, vm0, $0xb8;
	[tilespmem:$0x1E800] =	vst v63  }
0x109: {  	_ =	swait.ge [sflag:s29], $0x6000  }
0x10a: {  	[sflag:s29] =	ssyncset.done $0x0  }
0x10b: {  	s12 =	rddreg [dreg:$0x5];
	[sflag:s29] =	ssyncadd.s32 $0xFFFFA000  }
0x10c: {  	[hbm4b:s12+s3] =	stream.linear.scatter [tilespmem:s4], [sflag:$0x6], $0x6000, $0x38;
	[tilespmem:$0x1E800] =	vst v63  }
0x10d: {  	_ =	swait.ge [sflag:s8], $0x6000  }
0x10e: {  	[sflag:s8] =	ssyncset.done $0x0  }
0x10f: {  	[sflag:s8] =	ssyncadd.s32 $0xFFFFA000  }
0x110: {  	v3 =	vld [tilespmem:$0x300];
	_ =	sdelay $0x4  }
0x111: {  	v44 =	vshrl.u32 v3, $0x3  }
0x112: {  	v4 =	vmul.u32 $0x30, v44  }
0x113: {  	v3 =	vand.u32 $0x7, v3  }
0x114: {  	v3 =	vor.u32 v3, v4  }
0x115: {  	v4 =	vperm.xlane v3, v0;
	_ =	sdelay $0x1  }
0x116: {  	v4 =	vadd.s32 v1, v4;
	_ =	sdelay $0x3  }
0x117: {  	v3 =	vperm.xlane v3, v2  }
0x118: {  	[tilespmem:s4], [sflag:$0x2] =	stream.indirect_vreg.gather [hbm4b:s1+s3], $0x80, v4, vm0, $0xb8;
	[tilespmem:$0x1E800] =	vst v63  }
0x119: {  	s17 =	simm.s32 $0x7000;
	v3 =	vadd.s32 v1, v3  }
0x11a: {  	[tilespmem:s17], [sflag:$0x2] =	stream.indirect_vreg.gather [hbm4b:s5+s3], $0x80, v4, vm0, $0xb8;
	[tilespmem:$0x1E800] =	vst v63  }
0x11b: {  	s11 =	simm.s32 $0x7800  }
0x11c: {  	[tilespmem:s11], [sflag:$0x2] =	stream.indirect_vreg.gather [hbm4b:s6+s3], $0x80, v4, vm0, $0xb8;
	[tilespmem:$0x1E800] =	vst v63  }
0x11d: {  	s12 =	simm.s32 $0x8000  }
0x11e: {  	[tilespmem:s12], [sflag:$0x2] =	stream.indirect_vreg.gather [hbm4b:s1+s3], $0x80, v3, vm0, $0xb8;
	[tilespmem:$0x1E800] =	vst v63  }
0x11f: {  	s17 =	simm.s32 $0x8800  }
0x120: {  	[tilespmem:s17], [sflag:$0x2] =	stream.indirect_vreg.gather [hbm4b:s5+s3], $0x80, v3, vm0, $0xb8;
	[tilespmem:$0x1E800] =	vst v63  }
0x121: {  	s24 =	simm.s32 $0x9000  }
0x122: {  	[tilespmem:s24], [sflag:$0x2] =	stream.indirect_vreg.gather [hbm4b:s6+s3], $0x80, v3, vm0, $0xb8;
	[tilespmem:$0x1E800] =	vst v63  }
0x123: {  	v3 =	vld [tilespmem:$0x310];
	_ =	sdelay $0x4  }
0x124: {  	v45 =	vshrl.u32 v3, $0x3  }
0x125: {  	v4 =	vmul.u32 $0x30, v45  }
0x126: {  	v3 =	vand.u32 $0x7, v3  }
0x127: {  	v3 =	vor.u32 v3, v4  }
0x128: {  	v4 =	vperm.xlane v3, v0;
	_ =	sdelay $0x1  }
0x129: {  	v4 =	vadd.s32 v1, v4;
	_ =	sdelay $0x3  }
0x12a: {  	s26 =	simm.s32 $0x9800;
	v3 =	vperm.xlane v3, v2  }
0x12b: {  	[tilespmem:s26], [sflag:$0x2] =	stream.indirect_vreg.gather [hbm4b:s1+s3], $0x80, v4, vm0, $0xb8;
	[tilespmem:$0x1E800] =	vst v63  }
0x12c: {  	s24 =	simm.s32 $0xA000;
	v3 =	vadd.s32 v1, v3  }
0x12d: {  	[tilespmem:s24], [sflag:$0x2] =	stream.indirect_vreg.gather [hbm4b:s5+s3], $0x80, v4, vm0, $0xb8;
	[tilespmem:$0x1E800] =	vst v63  }
0x12e: {  	s26 =	simm.s32 $0xA800  }
0x12f: {  	[tilespmem:s26], [sflag:$0x2] =	stream.indirect_vreg.gather [hbm4b:s6+s3], $0x80, v4, vm0, $0xb8;
	[tilespmem:$0x1E800] =	vst v63  }
0x130: {  	s11 =	simm.s32 $0xB000  }
0x131: {  	[tilespmem:s11], [sflag:$0x2] =	stream.indirect_vreg.gather [hbm4b:s1+s3], $0x80, v3, vm0, $0xb8;
	[tilespmem:$0x1E800] =	vst v63  }
0x132: {  	s12 =	simm.s32 $0xB800  }
0x133: {  	[tilespmem:s12], [sflag:$0x2] =	stream.indirect_vreg.gather [hbm4b:s5+s3], $0x80, v3, vm0, $0xb8;
	[tilespmem:$0x1E800] =	vst v63  }
0x134: {  	s25 =	simm.s32 $0xC000  }
0x135: {  	[tilespmem:s25], [sflag:$0x2] =	stream.indirect_vreg.gather [hbm4b:s6+s3], $0x80, v3, vm0, $0xb8;
	[tilespmem:$0x1E800] =	vst v63  }
0x136: {  	_ =	swait.ge [sflag:s30], $0x6000  }
0x137: {  	[sflag:s30] =	ssyncset.done $0x0  }
0x138: {  	s17 =	rddreg [dreg:$0x6];
	[sflag:s30] =	ssyncadd.s32 $0xFFFFA000  }
0x139: {  	[hbm4b:s17+s3] =	stream.linear.scatter [tilespmem:s22], [sflag:$0x6], $0x6000, $0x38;
	[tilespmem:$0x1E800] =	vst v63  }
0x13a: {  	_ =	swait.ge [sflag:s8], $0x6000  }
0x13b: {  	[sflag:s8] =	ssyncset.done $0x0  }
0x13c: {  	[sflag:s8] =	ssyncadd.s32 $0xFFFFA000  }
0x13d: {  	v3 =	vld [tilespmem:$0x380];
	_ =	sdelay $0x4  }
0x13e: {  	v46 =	vshrl.u32 v3, $0x3  }
0x13f: {  	v4 =	vmul.u32 $0x30, v46  }
0x140: {  	v3 =	vand.u32 $0x7, v3  }
0x141: {  	v3 =	vor.u32 v3, v4  }
0x142: {  	v4 =	vperm.xlane v3, v0;
	_ =	sdelay $0x1  }
0x143: {  	v4 =	vadd.s32 v1, v4;
	_ =	sdelay $0x3  }
0x144: {  	v3 =	vperm.xlane v3, v2  }
0x145: {  	[tilespmem:s22], [sflag:$0x3] =	stream.indirect_vreg.gather [hbm4b:s1+s3], $0x80, v4, vm0, $0xb8;
	[tilespmem:$0x1E800] =	vst v63  }
0x146: {  	s25 =	simm.s32 $0xD000;
	v3 =	vadd.s32 v1, v3  }
0x147: {  	[tilespmem:s25], [sflag:$0x3] =	stream.indirect_vreg.gather [hbm4b:s5+s3], $0x80, v4, vm0, $0xb8;
	[tilespmem:$0x1E800] =	vst v63  }
0x148: {  	s11 =	simm.s32 $0xD800  }
0x149: {  	[tilespmem:s11], [sflag:$0x3] =	stream.indirect_vreg.gather [hbm4b:s6+s3], $0x80, v4, vm0, $0xb8;
	[tilespmem:$0x1E800] =	vst v63  }
0x14a: {  	s12 =	simm.s32 $0xE000  }
0x14b: {  	[tilespmem:s12], [sflag:$0x3] =	stream.indirect_vreg.gather [hbm4b:s1+s3], $0x80, v3, vm0, $0xb8;
	[tilespmem:$0x1E800] =	vst v63  }
0x14c: {  	s17 =	simm.s32 $0xE800  }
0x14d: {  	[tilespmem:s17], [sflag:$0x3] =	stream.indirect_vreg.gather [hbm4b:s5+s3], $0x80, v3, vm0, $0xb8;
	[tilespmem:$0x1E800] =	vst v63  }
0x14e: {  	s25 =	simm.s32 $0xF000  }
0x14f: {  	[tilespmem:s25], [sflag:$0x3] =	stream.indirect_vreg.gather [hbm4b:s6+s3], $0x80, v3, vm0, $0xb8;
	[tilespmem:$0x1E800] =	vst v63  }
0x150: {  	v3 =	vld [tilespmem:$0x390];
	_ =	sdelay $0x4  }
0x151: {  	v47 =	vshrl.u32 v3, $0x3  }
0x152: {  	v4 =	vmul.u32 $0x30, v47  }
0x153: {  	v3 =	vand.u32 $0x7, v3  }
0x154: {  	v3 =	vor.u32 v3, v4  }
0x155: {  	v4 =	vperm.xlane v3, v0;
	_ =	sdelay $0x1  }
0x156: {  	v4 =	vadd.s32 v1, v4;
	_ =	sdelay $0x3  }
0x157: {  	s11 =	simm.s32 $0xF800;
	v3 =	vperm.xlane v3, v2  }
0x158: {  	[tilespmem:s11], [sflag:$0x3] =	stream.indirect_vreg.gather [hbm4b:s1+s3], $0x80, v4, vm0, $0xb8;
	[tilespmem:$0x1E800] =	vst v63  }
0x159: {  	s12 =	simm.s32 $0x10000;
	v3 =	vadd.s32 v1, v3  }
0x15a: {  	[tilespmem:s12], [sflag:$0x3] =	stream.indirect_vreg.gather [hbm4b:s5+s3], $0x80, v4, vm0, $0xb8;
	[tilespmem:$0x1E800] =	vst v63  }
0x15b: {  	s17 =	simm.s32 $0x10800  }
0x15c: {  	[tilespmem:s17], [sflag:$0x3] =	stream.indirect_vreg.gather [hbm4b:s6+s3], $0x80, v4, vm0, $0xb8;
	[tilespmem:$0x1E800] =	vst v63  }
0x15d: {  	s25 =	simm.s32 $0x11000  }
0x15e: {  	[tilespmem:s25], [sflag:$0x3] =	stream.indirect_vreg.gather [hbm4b:s1+s3], $0x80, v3, vm0, $0xb8;
	[tilespmem:$0x1E800] =	vst v63  }
0x15f: {  	s11 =	simm.s32 $0x11800  }
0x160: {  	[tilespmem:s11], [sflag:$0x3] =	stream.indirect_vreg.gather [hbm4b:s5+s3], $0x80, v3, vm0, $0xb8;
	[tilespmem:$0x1E800] =	vst v63  }
0x161: {  	s12 =	simm.s32 $0x12000  }
0x162: {  	[tilespmem:s12], [sflag:$0x3] =	stream.indirect_vreg.gather [hbm4b:s6+s3], $0x80, v3, vm0, $0xb8;
	[tilespmem:$0x1E800] =	vst v63  }
0x163: {  	_ =	swait.ge [sflag:s31], $0x6000  }
0x164: {  	[sflag:s31] =	ssyncset.done $0x0  }
0x165: {  	s17 =	rddreg [dreg:$0x7];
	[sflag:s31] =	ssyncadd.s32 $0xFFFFA000  }
0x166: {  	[hbm4b:s17+s3] =	stream.linear.scatter [tilespmem:s9], [sflag:$0x6], $0x6000, $0x38;
	[tilespmem:$0x1E800] =	vst v63  }
0x167: {  	_ =	swait.ge [sflag:s8], $0x6000  }
0x168: {  	[sflag:s8] =	ssyncset.done $0x0  }
0x169: {  	[sflag:s8] =	ssyncadd.s32 $0xFFFFA000  }
0x16a: {  	v3 =	vld [tilespmem:$0x400];
	_ =	sdelay $0x4  }
0x16b: {  	v48 =	vshrl.u32 v3, $0x3  }
0x16c: {  	v4 =	vmul.u32 $0x30, v48  }
0x16d: {  	v3 =	vand.u32 $0x7, v3  }
0x16e: {  	v3 =	vor.u32 v3, v4  }
0x16f: {  	v4 =	vperm.xlane v3, v0;
	_ =	sdelay $0x1  }
0x170: {  	v4 =	vadd.s32 v1, v4;
	_ =	sdelay $0x3  }
0x171: {  	v3 =	vperm.xlane v3, v2  }
0x172: {  	[tilespmem:s9], [sflag:$0x4] =	stream.indirect_vreg.gather [hbm4b:s1+s3], $0x80, v4, vm0, $0xb8;
	[tilespmem:$0x1E800] =	vst v63  }
0x173: {  	s25 =	simm.s32 $0x13000;
	v3 =	vadd.s32 v1, v3  }
0x174: {  	[tilespmem:s25], [sflag:$0x4] =	stream.indirect_vreg.gather [hbm4b:s5+s3], $0x80, v4, vm0, $0xb8;
	[tilespmem:$0x1E800] =	vst v63  }
0x175: {  	s11 =	simm.s32 $0x13800  }
0x176: {  	[tilespmem:s11], [sflag:$0x4] =	stream.indirect_vreg.gather [hbm4b:s6+s3], $0x80, v4, vm0, $0xb8;
	[tilespmem:$0x1E800] =	vst v63  }
0x177: {  	s12 =	simm.s32 $0x14000  }
0x178: {  	[tilespmem:s12], [sflag:$0x4] =	stream.indirect_vreg.gather [hbm4b:s1+s3], $0x80, v3, vm0, $0xb8;
	[tilespmem:$0x1E800] =	vst v63  }
0x179: {  	s17 =	simm.s32 $0x14800  }
0x17a: {  	[tilespmem:s17], [sflag:$0x4] =	stream.indirect_vreg.gather [hbm4b:s5+s3], $0x80, v3, vm0, $0xb8;
	[tilespmem:$0x1E800] =	vst v63  }
0x17b: {  	s25 =	simm.s32 $0x15000  }
0x17c: {  	[tilespmem:s25], [sflag:$0x4] =	stream.indirect_vreg.gather [hbm4b:s6+s3], $0x80, v3, vm0, $0xb8;
	[tilespmem:$0x1E800] =	vst v63  }
0x17d: {  	v3 =	vld [tilespmem:$0x410];
	_ =	sdelay $0x4  }
0x17e: {  	v49 =	vshrl.u32 v3, $0x3  }
0x17f: {  	v4 =	vmul.u32 $0x30, v49  }
0x180: {  	v3 =	vand.u32 $0x7, v3  }
0x181: {  	v3 =	vor.u32 v3, v4  }
0x182: {  	v4 =	vperm.xlane v3, v0;
	_ =	sdelay $0x1  }
0x183: {  	v4 =	vadd.s32 v1, v4;
	_ =	sdelay $0x3  }
0x184: {  	s11 =	simm.s32 $0x15800;
	v3 =	vperm.xlane v3, v2  }
0x185: {  	[tilespmem:s11], [sflag:$0x4] =	stream.indirect_vreg.gather [hbm4b:s1+s3], $0x80, v4, vm0, $0xb8;
	[tilespmem:$0x1E800] =	vst v63  }
0x186: {  	s12 =	simm.s32 $0x16000;
	v3 =	vadd.s32 v1, v3  }
0x187: {  	[tilespmem:s12], [sflag:$0x4] =	stream.indirect_vreg.gather [hbm4b:s5+s3], $0x80, v4, vm0, $0xb8;
	[tilespmem:$0x1E800] =	vst v63  }
0x188: {  	s17 =	simm.s32 $0x16800  }
0x189: {  	[tilespmem:s17], [sflag:$0x4] =	stream.indirect_vreg.gather [hbm4b:s6+s3], $0x80, v4, vm0, $0xb8;
	[tilespmem:$0x1E800] =	vst v63  }
0x18a: {  	s25 =	simm.s32 $0x17000  }
0x18b: {  	[tilespmem:s25], [sflag:$0x4] =	stream.indirect_vreg.gather [hbm4b:s1+s3], $0x80, v3, vm0, $0xb8;
	[tilespmem:$0x1E800] =	vst v63  }
0x18c: {  	s11 =	simm.s32 $0x17800  }
0x18d: {  	[tilespmem:s11], [sflag:$0x4] =	stream.indirect_vreg.gather [hbm4b:s5+s3], $0x80, v3, vm0, $0xb8;
	[tilespmem:$0x1E800] =	vst v63  }
0x18e: {  	s12 =	simm.s32 $0x18000  }
0x18f: {  	[tilespmem:s12], [sflag:$0x4] =	stream.indirect_vreg.gather [hbm4b:s6+s3], $0x80, v3, vm0, $0xb8;
	[tilespmem:$0x1E800] =	vst v63  }
0x190: {  	_ =	swait.ge [sflag:s2], $0x6000  }
0x191: {  	[sflag:s2] =	ssyncset.done $0x0  }
0x192: {  	s17 =	rddreg [dreg:$0x8];
	[sflag:s2] =	ssyncadd.s32 $0xFFFFA000  }
0x193: {  	[hbm4b:s17+s3] =	stream.linear.scatter [tilespmem:s18], [sflag:$0x6], $0x6000, $0x38;
	[tilespmem:$0x1E800] =	vst v63  }
0x194: {  	_ =	swait.ge [sflag:s8], $0x6000  }
0x195: {  	[sflag:s8] =	ssyncset.done $0x0  }
0x196: {  	[sflag:s8] =	ssyncadd.s32 $0xFFFFA000  }
0x197: {  	v3 =	vld [tilespmem:$0x480];
	_ =	sdelay $0x4  }
0x198: {  	v50 =	vshrl.u32 v3, $0x3  }
0x199: {  	v4 =	vmul.u32 $0x30, v50  }
0x19a: {  	v3 =	vand.u32 $0x7, v3  }
0x19b: {  	v3 =	vor.u32 v3, v4  }
0x19c: {  	v4 =	vperm.xlane v3, v0;
	_ =	sdelay $0x1  }
0x19d: {  	v4 =	vadd.s32 v1, v4;
	_ =	sdelay $0x3  }
0x19e: {  	v3 =	vperm.xlane v3, v2  }
0x19f: {  	[tilespmem:s18], [sflag:$0x5] =	stream.indirect_vreg.gather [hbm4b:s1+s3], $0x80, v4, vm0, $0xb8;
	[tilespmem:$0x1E800] =	vst v63  }
0x1a0: {  	s25 =	simm.s32 $0x19000;
	v3 =	vadd.s32 v1, v3  }
0x1a1: {  	[tilespmem:s25], [sflag:$0x5] =	stream.indirect_vreg.gather [hbm4b:s5+s3], $0x80, v4, vm0, $0xb8;
	[tilespmem:$0x1E800] =	vst v63  }
0x1a2: {  	s11 =	simm.s32 $0x19800  }
0x1a3: {  	[tilespmem:s11], [sflag:$0x5] =	stream.indirect_vreg.gather [hbm4b:s6+s3], $0x80, v4, vm0, $0xb8;
	[tilespmem:$0x1E800] =	vst v63  }
0x1a4: {  	s12 =	simm.s32 $0x1A000  }
0x1a5: {  	[tilespmem:s12], [sflag:$0x5] =	stream.indirect_vreg.gather [hbm4b:s1+s3], $0x80, v3, vm0, $0xb8;
	[tilespmem:$0x1E800] =	vst v63  }
0x1a6: {  	s17 =	simm.s32 $0x1A800  }
0x1a7: {  	[tilespmem:s17], [sflag:$0x5] =	stream.indirect_vreg.gather [hbm4b:s5+s3], $0x80, v3, vm0, $0xb8;
	[tilespmem:$0x1E800] =	vst v63  }
0x1a8: {  	s25 =	simm.s32 $0x1B000  }
0x1a9: {  	[tilespmem:s25], [sflag:$0x5] =	stream.indirect_vreg.gather [hbm4b:s6+s3], $0x80, v3, vm0, $0xb8;
	[tilespmem:$0x1E800] =	vst v63  }
0x1aa: {  	v3 =	vld [tilespmem:$0x490];
	_ =	sdelay $0x4  }
0x1ab: {  	v51 =	vshrl.u32 v3, $0x3  }
0x1ac: {  	v4 =	vmul.u32 $0x30, v51  }
0x1ad: {  	v3 =	vand.u32 $0x7, v3  }
0x1ae: {  	v3 =	vor.u32 v3, v4  }
0x1af: {  	v4 =	vperm.xlane v3, v0;
	_ =	sdelay $0x1  }
0x1b0: {  	v4 =	vadd.s32 v1, v4;
	_ =	sdelay $0x3  }
0x1b1: {  	s11 =	simm.s32 $0x1B800;
	v3 =	vperm.xlane v3, v2  }
0x1b2: {  	[tilespmem:s11], [sflag:$0x5] =	stream.indirect_vreg.gather [hbm4b:s1+s3], $0x80, v4, vm0, $0xb8;
	[tilespmem:$0x1E800] =	vst v63  }
0x1b3: {  	s12 =	simm.s32 $0x1C000;
	v3 =	vadd.s32 v1, v3  }
0x1b4: {  	[tilespmem:s12], [sflag:$0x5] =	stream.indirect_vreg.gather [hbm4b:s5+s3], $0x80, v4, vm0, $0xb8;
	[tilespmem:$0x1E800] =	vst v63  }
0x1b5: {  	s17 =	simm.s32 $0x1C800  }
0x1b6: {  	[tilespmem:s17], [sflag:$0x5] =	stream.indirect_vreg.gather [hbm4b:s6+s3], $0x80, v4, vm0, $0xb8;
	[tilespmem:$0x1E800] =	vst v63  }
0x1b7: {  	s25 =	simm.s32 $0x1D000  }
0x1b8: {  	[tilespmem:s25], [sflag:$0x5] =	stream.indirect_vreg.gather [hbm4b:s1+s3], $0x80, v3, vm0, $0xb8;
	[tilespmem:$0x1E800] =	vst v63  }
0x1b9: {  	s11 =	simm.s32 $0x1D800  }
0x1ba: {  	[tilespmem:s11], [sflag:$0x5] =	stream.indirect_vreg.gather [hbm4b:s5+s3], $0x80, v3, vm0, $0xb8;
	[tilespmem:$0x1E800] =	vst v63  }
0x1bb: {  	s12 =	simm.s32 $0x1E000  }
0x1bc: {  	[tilespmem:s12], [sflag:$0x5] =	stream.indirect_vreg.gather [hbm4b:s6+s3], $0x80, v3, vm0, $0xb8;
	[tilespmem:$0x1E800] =	vst v63  }
0x1bd: {  	_ =	swait.ge [sflag:s28], $0x6000  }
0x1be: {  	[sflag:s28] =	ssyncset.done $0x0  }
0x1bf: {  	s17 =	rddreg [dreg:$0x9];
	[sflag:s28] =	ssyncadd.s32 $0xFFFFA000  }
0x1c0: {  	[hbm4b:s17+s3] =	stream.linear.scatter [tilespmem:s19], [sflag:$0x6], $0x6000, $0x38;
	[tilespmem:$0x1E800] =	vst v63  }
0x1c1: {  	_ =	swait.ge [sflag:s8], $0x6000  }
0x1c2: {  	[sflag:s8] =	ssyncset.done $0x0  }
0x1c3: {  	[sflag:s8] =	ssyncadd.s32 $0xFFFFA000  }
0x1c4: {  	v3 =	vld [tilespmem:$0x500];
	_ =	sdelay $0x4  }
0x1c5: {  	v52 =	vshrl.u32 v3, $0x3  }
0x1c6: {  	v4 =	vmul.u32 $0x30, v52  }
0x1c7: {  	v3 =	vand.u32 $0x7, v3  }
0x1c8: {  	v3 =	vor.u32 v3, v4  }
0x1c9: {  	v4 =	vperm.xlane v3, v0;
	_ =	sdelay $0x1  }
0x1ca: {  	v4 =	vadd.s32 v1, v4;
	_ =	sdelay $0x3  }
0x1cb: {  	v3 =	vperm.xlane v3, v2  }
0x1cc: {  	[tilespmem:s19], [sflag:$0x1] =	stream.indirect_vreg.gather [hbm4b:s1+s3], $0x80, v4, vm0, $0xb8;
	[tilespmem:$0x1E800] =	vst v63  }
0x1cd: {  	s20 =	simm.s32 $0x1000;
	v3 =	vadd.s32 v1, v3  }
0x1ce: {  	[tilespmem:s20], [sflag:$0x1] =	stream.indirect_vreg.gather [hbm4b:s5+s3], $0x80, v4, vm0, $0xb8;
	[tilespmem:$0x1E800] =	vst v63  }
0x1cf: {  	s21 =	simm.s32 $0x1800  }
0x1d0: {  	[tilespmem:s21], [sflag:$0x1] =	stream.indirect_vreg.gather [hbm4b:s6+s3], $0x80, v4, vm0, $0xb8;
	[tilespmem:$0x1E800] =	vst v63  }
0x1d1: {  	s21 =	simm.s32 $0x2000  }
0x1d2: {  	[tilespmem:s21], [sflag:$0x1] =	stream.indirect_vreg.gather [hbm4b:s1+s3], $0x80, v3, vm0, $0xb8;
	[tilespmem:$0x1E800] =	vst v63  }
0x1d3: {  	s13 =	simm.s32 $0x2800  }
0x1d4: {  	[tilespmem:s13], [sflag:$0x1] =	stream.indirect_vreg.gather [hbm4b:s5+s3], $0x80, v3, vm0, $0xb8;
	[tilespmem:$0x1E800] =	vst v63  }
0x1d5: {  	s23 =	simm.s32 $0x3000  }
0x1d6: {  	[tilespmem:s23], [sflag:$0x1] =	stream.indirect_vreg.gather [hbm4b:s6+s3], $0x80, v3, vm0, $0xb8;
	[tilespmem:$0x1E800] =	vst v63  }
0x1d7: {  	v3 =	vld [tilespmem:$0x510];
	_ =	sdelay $0x4  }
0x1d8: {  	v53 =	vshrl.u32 v3, $0x3  }
0x1d9: {  	v4 =	vmul.u32 $0x30, v53  }
0x1da: {  	v3 =	vand.u32 $0x7, v3  }
0x1db: {  	v3 =	vor.u32 v3, v4  }
0x1dc: {  	v4 =	vperm.xlane v3, v0;
	_ =	sdelay $0x1  }
0x1dd: {  	v4 =	vadd.s32 v1, v4;
	_ =	sdelay $0x3  }
0x1de: {  	s25 =	simm.s32 $0x3800;
	v3 =	vperm.xlane v3, v2  }
0x1df: {  	[tilespmem:s25], [sflag:$0x1] =	stream.indirect_vreg.gather [hbm4b:s1+s3], $0x80, v4, vm0, $0xb8;
	[tilespmem:$0x1E800] =	vst v63  }
0x1e0: {  	s10 =	simm.s32 $0x4000;
	v3 =	vadd.s32 v1, v3  }
0x1e1: {  	[tilespmem:s10], [sflag:$0x1] =	stream.indirect_vreg.gather [hbm4b:s5+s3], $0x80, v4, vm0, $0xb8;
	[tilespmem:$0x1E800] =	vst v63  }
0x1e2: {  	s15 =	simm.s32 $0x4800  }
0x1e3: {  	[tilespmem:s15], [sflag:$0x1] =	stream.indirect_vreg.gather [hbm4b:s6+s3], $0x80, v4, vm0, $0xb8;
	[tilespmem:$0x1E800] =	vst v63  }
0x1e4: {  	s16 =	simm.s32 $0x5000  }
0x1e5: {  	[tilespmem:s16], [sflag:$0x1] =	stream.indirect_vreg.gather [hbm4b:s1+s3], $0x80, v3, vm0, $0xb8;
	[tilespmem:$0x1E800] =	vst v63  }
0x1e6: {  	s10 =	simm.s32 $0x5800  }
0x1e7: {  	[tilespmem:s10], [sflag:$0x1] =	stream.indirect_vreg.gather [hbm4b:s5+s3], $0x80, v3, vm0, $0xb8;
	[tilespmem:$0x1E800] =	vst v63  }
0x1e8: {  	s14 =	simm.s32 $0x6000  }
0x1e9: {  	[tilespmem:s14], [sflag:$0x1] =	stream.indirect_vreg.gather [hbm4b:s6+s3], $0x80, v3, vm0, $0xb8;
	[tilespmem:$0x1E800] =	vst v63  }
0x1ea: {  	_ =	swait.ge [sflag:s29], $0x6000  }
0x1eb: {  	[sflag:s29] =	ssyncset.done $0x0  }
0x1ec: {  	s14 =	rddreg [dreg:$0xa];
	[sflag:s29] =	ssyncadd.s32 $0xFFFFA000  }
0x1ed: {  	[hbm4b:s14+s3] =	stream.linear.scatter [tilespmem:s4], [sflag:$0x6], $0x6000, $0x38;
	[tilespmem:$0x1E800] =	vst v63  }
0x1ee: {  	_ =	swait.ge [sflag:s8], $0x6000  }
0x1ef: {  	[sflag:s8] =	ssyncset.done $0x0  }
0x1f0: {  	[sflag:s8] =	ssyncadd.s32 $0xFFFFA000  }
0x1f1: {  	v3 =	vld [tilespmem:$0x580];
	_ =	sdelay $0x4  }
0x1f2: {  	v54 =	vshrl.u32 v3, $0x3  }
0x1f3: {  	v4 =	vmul.u32 $0x30, v54  }
0x1f4: {  	v3 =	vand.u32 $0x7, v3  }
0x1f5: {  	v3 =	vor.u32 v3, v4  }
0x1f6: {  	v4 =	vperm.xlane v3, v0;
	_ =	sdelay $0x1  }
0x1f7: {  	v4 =	vadd.s32 v1, v4;
	_ =	sdelay $0x3  }
0x1f8: {  	v3 =	vperm.xlane v3, v2  }
0x1f9: {  	[tilespmem:s4], [sflag:$0x2] =	stream.indirect_vreg.gather [hbm4b:s1+s3], $0x80, v4, vm0, $0xb8;
	[tilespmem:$0x1E800] =	vst v63  }
0x1fa: {  	s14 =	simm.s32 $0x7000;
	v3 =	vadd.s32 v1, v3  }
0x1fb: {  	[tilespmem:s14], [sflag:$0x2] =	stream.indirect_vreg.gather [hbm4b:s5+s3], $0x80, v4, vm0, $0xb8;
	[tilespmem:$0x1E800] =	vst v63  }
0x1fc: {  	s14 =	simm.s32 $0x7800  }
0x1fd: {  	[tilespmem:s14], [sflag:$0x2] =	stream.indirect_vreg.gather [hbm4b:s6+s3], $0x80, v4, vm0, $0xb8;
	[tilespmem:$0x1E800] =	vst v63  }
0x1fe: {  	s14 =	simm.s32 $0x8000  }
0x1ff: {  	[tilespmem:s14], [sflag:$0x2] =	stream.indirect_vreg.gather [hbm4b:s1+s3], $0x80, v3, vm0, $0xb8;
	[tilespmem:$0x1E800] =	vst v63  }
0x200: {  	s14 =	simm.s32 $0x8800  }
0x201: {  	[tilespmem:s14], [sflag:$0x2] =	stream.indirect_vreg.gather [hbm4b:s5+s3], $0x80, v3, vm0, $0xb8;
	[tilespmem:$0x1E800] =	vst v63  }
0x202: {  	s14 =	simm.s32 $0x9000  }
0x203: {  	[tilespmem:s14], [sflag:$0x2] =	stream.indirect_vreg.gather [hbm4b:s6+s3], $0x80, v3, vm0, $0xb8;
	[tilespmem:$0x1E800] =	vst v63  }
0x204: {  	v3 =	vld [tilespmem:$0x590];
	_ =	sdelay $0x4  }
0x205: {  	v55 =	vshrl.u32 v3, $0x3  }
0x206: {  	v4 =	vmul.u32 $0x30, v55  }
0x207: {  	v3 =	vand.u32 $0x7, v3  }
0x208: {  	v3 =	vor.u32 v3, v4  }
0x209: {  	v4 =	vperm.xlane v3, v0;
	_ =	sdelay $0x1  }
0x20a: {  	v4 =	vadd.s32 v1, v4;
	_ =	sdelay $0x3  }
0x20b: {  	s14 =	simm.s32 $0x9800;
	v3 =	vperm.xlane v3, v2  }
0x20c: {  	[tilespmem:s14], [sflag:$0x2] =	stream.indirect_vreg.gather [hbm4b:s1+s3], $0x80, v4, vm0, $0xb8;
	[tilespmem:$0x1E800] =	vst v63  }
0x20d: {  	v3 =	vadd.s32 v1, v3;
	s14 =	simm.s32 $0xA000  }
0x20e: {  	[tilespmem:s14], [sflag:$0x2] =	stream.indirect_vreg.gather [hbm4b:s5+s3], $0x80, v4, vm0, $0xb8;
	[tilespmem:$0x1E800] =	vst v63  }
0x20f: {  	s26 =	simm.s32 $0xA800  }
0x210: {  	[tilespmem:s26], [sflag:$0x2] =	stream.indirect_vreg.gather [hbm4b:s6+s3], $0x80, v4, vm0, $0xb8;
	[tilespmem:$0x1E800] =	vst v63  }
0x211: {  	s14 =	simm.s32 $0xB000  }
0x212: {  	[tilespmem:s14], [sflag:$0x2] =	stream.indirect_vreg.gather [hbm4b:s1+s3], $0x80, v3, vm0, $0xb8;
	[tilespmem:$0x1E800] =	vst v63  }
0x213: {  	s26 =	simm.s32 $0xB800  }
0x214: {  	[tilespmem:s26], [sflag:$0x2] =	stream.indirect_vreg.gather [hbm4b:s5+s3], $0x80, v3, vm0, $0xb8;
	[tilespmem:$0x1E800] =	vst v63  }
0x215: {  	s24 =	simm.s32 $0xC000  }
0x216: {  	[tilespmem:s24], [sflag:$0x2] =	stream.indirect_vreg.gather [hbm4b:s6+s3], $0x80, v3, vm0, $0xb8;
	[tilespmem:$0x1E800] =	vst v63  }
0x217: {  	_ =	swait.ge [sflag:s30], $0x6000  }
0x218: {  	[sflag:s30] =	ssyncset.done $0x0  }
0x219: {  	s14 =	rddreg [dreg:$0xb];
	[sflag:s30] =	ssyncadd.s32 $0xFFFFA000  }
0x21a: {  	[hbm4b:s14+s3] =	stream.linear.scatter [tilespmem:s22], [sflag:$0x6], $0x6000, $0x38;
	[tilespmem:$0x1E800] =	vst v63  }
0x21b: {  	_ =	swait.ge [sflag:s8], $0x6000  }
0x21c: {  	[sflag:s8] =	ssyncset.done $0x0  }
0x21d: {  	[sflag:s8] =	ssyncadd.s32 $0xFFFFA000  }
0x21e: {  	v3 =	vld [tilespmem:$0x600];
	_ =	sdelay $0x4  }
0x21f: {  	v56 =	vshrl.u32 v3, $0x3  }
0x220: {  	v4 =	vmul.u32 $0x30, v56  }
0x221: {  	v3 =	vand.u32 $0x7, v3  }
0x222: {  	v3 =	vor.u32 v3, v4  }
0x223: {  	v4 =	vperm.xlane v3, v0;
	_ =	sdelay $0x1  }
0x224: {  	v4 =	vadd.s32 v1, v4;
	_ =	sdelay $0x3  }
0x225: {  	v3 =	vperm.xlane v3, v2  }
0x226: {  	[tilespmem:s22], [sflag:$0x3] =	stream.indirect_vreg.gather [hbm4b:s1+s3], $0x80, v4, vm0, $0xb8;
	[tilespmem:$0x1E800] =	vst v63  }
0x227: {  	s24 =	simm.s32 $0xD000;
	v3 =	vadd.s32 v1, v3  }
0x228: {  	[tilespmem:s24], [sflag:$0x3] =	stream.indirect_vreg.gather [hbm4b:s5+s3], $0x80, v4, vm0, $0xb8;
	[tilespmem:$0x1E800] =	vst v63  }
0x229: {  	s26 =	simm.s32 $0xD800  }
0x22a: {  	[tilespmem:s26], [sflag:$0x3] =	stream.indirect_vreg.gather [hbm4b:s6+s3], $0x80, v4, vm0, $0xb8;
	[tilespmem:$0x1E800] =	vst v63  }
0x22b: {  	s14 =	simm.s32 $0xE000  }
0x22c: {  	[tilespmem:s14], [sflag:$0x3] =	stream.indirect_vreg.gather [hbm4b:s1+s3], $0x80, v3, vm0, $0xb8;
	[tilespmem:$0x1E800] =	vst v63  }
0x22d: {  	s24 =	simm.s32 $0xE800  }
0x22e: {  	[tilespmem:s24], [sflag:$0x3] =	stream.indirect_vreg.gather [hbm4b:s5+s3], $0x80, v3, vm0, $0xb8;
	[tilespmem:$0x1E800] =	vst v63  }
0x22f: {  	s26 =	simm.s32 $0xF000  }
0x230: {  	[tilespmem:s26], [sflag:$0x3] =	stream.indirect_vreg.gather [hbm4b:s6+s3], $0x80, v3, vm0, $0xb8;
	[tilespmem:$0x1E800] =	vst v63  }
0x231: {  	v3 =	vld [tilespmem:$0x610];
	_ =	sdelay $0x4  }
0x232: {  	v57 =	vshrl.u32 v3, $0x3  }
0x233: {  	v4 =	vmul.u32 $0x30, v57  }
0x234: {  	v3 =	vand.u32 $0x7, v3  }
0x235: {  	v3 =	vor.u32 v3, v4  }
0x236: {  	v4 =	vperm.xlane v3, v0;
	_ =	sdelay $0x1  }
0x237: {  	v4 =	vadd.s32 v1, v4;
	_ =	sdelay $0x3  }
0x238: {  	s14 =	simm.s32 $0xF800;
	v3 =	vperm.xlane v3, v2  }
0x239: {  	[tilespmem:s14], [sflag:$0x3] =	stream.indirect_vreg.gather [hbm4b:s1+s3], $0x80, v4, vm0, $0xb8;
	[tilespmem:$0x1E800] =	vst v63  }
0x23a: {  	s24 =	simm.s32 $0x10000;
	v3 =	vadd.s32 v1, v3  }
0x23b: {  	[tilespmem:s24], [sflag:$0x3] =	stream.indirect_vreg.gather [hbm4b:s5+s3], $0x80, v4, vm0, $0xb8;
	[tilespmem:$0x1E800] =	vst v63  }
0x23c: {  	s26 =	simm.s32 $0x10800  }
0x23d: {  	[tilespmem:s26], [sflag:$0x3] =	stream.indirect_vreg.gather [hbm4b:s6+s3], $0x80, v4, vm0, $0xb8;
	[tilespmem:$0x1E800] =	vst v63  }
0x23e: {  	s14 =	simm.s32 $0x11000  }
0x23f: {  	[tilespmem:s14], [sflag:$0x3] =	stream.indirect_vreg.gather [hbm4b:s1+s3], $0x80, v3, vm0, $0xb8;
	[tilespmem:$0x1E800] =	vst v63  }
0x240: {  	s24 =	simm.s32 $0x11800  }
0x241: {  	[tilespmem:s24], [sflag:$0x3] =	stream.indirect_vreg.gather [hbm4b:s5+s3], $0x80, v3, vm0, $0xb8;
	[tilespmem:$0x1E800] =	vst v63  }
0x242: {  	s26 =	simm.s32 $0x12000  }
0x243: {  	[tilespmem:s26], [sflag:$0x3] =	stream.indirect_vreg.gather [hbm4b:s6+s3], $0x80, v3, vm0, $0xb8;
	[tilespmem:$0x1E800] =	vst v63  }
0x244: {  	_ =	swait.ge [sflag:s31], $0x6000  }
0x245: {  	[sflag:s31] =	ssyncset.done $0x0  }
0x246: {  	s14 =	rddreg [dreg:$0xc];
	[sflag:s31] =	ssyncadd.s32 $0xFFFFA000  }
0x247: {  	[hbm4b:s14+s3] =	stream.linear.scatter [tilespmem:s9], [sflag:$0x6], $0x6000, $0x38;
	[tilespmem:$0x1E800] =	vst v63  }
0x248: {  	_ =	swait.ge [sflag:s8], $0x6000  }
0x249: {  	[sflag:s8] =	ssyncset.done $0x0  }
0x24a: {  	[sflag:s8] =	ssyncadd.s32 $0xFFFFA000  }
0x24b: {  	v3 =	vld [tilespmem:$0x680];
	_ =	sdelay $0x4  }
0x24c: {  	v58 =	vshrl.u32 v3, $0x3  }
0x24d: {  	v4 =	vmul.u32 $0x30, v58  }
0x24e: {  	v3 =	vand.u32 $0x7, v3  }
0x24f: {  	v3 =	vor.u32 v3, v4  }
0x250: {  	v4 =	vperm.xlane v3, v0;
	_ =	sdelay $0x1  }
0x251: {  	v4 =	vadd.s32 v1, v4;
	_ =	sdelay $0x3  }
0x252: {  	v3 =	vperm.xlane v3, v2  }
0x253: {  	[tilespmem:s9], [sflag:$0x4] =	stream.indirect_vreg.gather [hbm4b:s1+s3], $0x80, v4, vm0, $0xb8;
	[tilespmem:$0x1E800] =	vst v63  }
0x254: {  	s24 =	simm.s32 $0x13000;
	v3 =	vadd.s32 v1, v3  }
0x255: {  	[tilespmem:s24], [sflag:$0x4] =	stream.indirect_vreg.gather [hbm4b:s5+s3], $0x80, v4, vm0, $0xb8;
	[tilespmem:$0x1E800] =	vst v63  }
0x256: {  	s26 =	simm.s32 $0x13800  }
0x257: {  	[tilespmem:s26], [sflag:$0x4] =	stream.indirect_vreg.gather [hbm4b:s6+s3], $0x80, v4, vm0, $0xb8;
	[tilespmem:$0x1E800] =	vst v63  }
0x258: {  	s14 =	simm.s32 $0x14000  }
0x259: {  	[tilespmem:s14], [sflag:$0x4] =	stream.indirect_vreg.gather [hbm4b:s1+s3], $0x80, v3, vm0, $0xb8;
	[tilespmem:$0x1E800] =	vst v63  }
0x25a: {  	s24 =	simm.s32 $0x14800  }
0x25b: {  	[tilespmem:s24], [sflag:$0x4] =	stream.indirect_vreg.gather [hbm4b:s5+s3], $0x80, v3, vm0, $0xb8;
	[tilespmem:$0x1E800] =	vst v63  }
0x25c: {  	s26 =	simm.s32 $0x15000  }
0x25d: {  	[tilespmem:s26], [sflag:$0x4] =	stream.indirect_vreg.gather [hbm4b:s6+s3], $0x80, v3, vm0, $0xb8;
	[tilespmem:$0x1E800] =	vst v63  }
0x25e: {  	v3 =	vld [tilespmem:$0x690];
	_ =	sdelay $0x4  }
0x25f: {  	v59 =	vshrl.u32 v3, $0x3  }
0x260: {  	v4 =	vmul.u32 $0x30, v59  }
0x261: {  	v3 =	vand.u32 $0x7, v3  }
0x262: {  	v3 =	vor.u32 v3, v4  }
0x263: {  	v4 =	vperm.xlane v3, v0;
	_ =	sdelay $0x1  }
0x264: {  	v4 =	vadd.s32 v1, v4;
	_ =	sdelay $0x3  }
0x265: {  	s14 =	simm.s32 $0x15800;
	v3 =	vperm.xlane v3, v2  }
0x266: {  	[tilespmem:s14], [sflag:$0x4] =	stream.indirect_vreg.gather [hbm4b:s1+s3], $0x80, v4, vm0, $0xb8;
	[tilespmem:$0x1E800] =	vst v63  }
0x267: {  	s24 =	simm.s32 $0x16000;
	v3 =	vadd.s32 v1, v3  }
0x268: {  	[tilespmem:s24], [sflag:$0x4] =	stream.indirect_vreg.gather [hbm4b:s5+s3], $0x80, v4, vm0, $0xb8;
	[tilespmem:$0x1E800] =	vst v63  }
0x269: {  	s26 =	simm.s32 $0x16800  }
0x26a: {  	[tilespmem:s26], [sflag:$0x4] =	stream.indirect_vreg.gather [hbm4b:s6+s3], $0x80, v4, vm0, $0xb8;
	[tilespmem:$0x1E800] =	vst v63  }
0x26b: {  	s14 =	simm.s32 $0x17000  }
0x26c: {  	[tilespmem:s14], [sflag:$0x4] =	stream.indirect_vreg.gather [hbm4b:s1+s3], $0x80, v3, vm0, $0xb8;
	[tilespmem:$0x1E800] =	vst v63  }
0x26d: {  	s24 =	simm.s32 $0x17800  }
0x26e: {  	[tilespmem:s24], [sflag:$0x4] =	stream.indirect_vreg.gather [hbm4b:s5+s3], $0x80, v3, vm0, $0xb8;
	[tilespmem:$0x1E800] =	vst v63  }
0x26f: {  	s26 =	simm.s32 $0x18000  }
0x270: {  	[tilespmem:s26], [sflag:$0x4] =	stream.indirect_vreg.gather [hbm4b:s6+s3], $0x80, v3, vm0, $0xb8;
	[tilespmem:$0x1E800] =	vst v63  }
0x271: {  	_ =	swait.ge [sflag:s2], $0x6000  }
0x272: {  	[sflag:s2] =	ssyncset.done $0x0  }
0x273: {  	s14 =	rddreg [dreg:$0xd];
	[sflag:s2] =	ssyncadd.s32 $0xFFFFA000  }
0x274: {  	[hbm4b:s14+s3] =	stream.linear.scatter [tilespmem:s18], [sflag:$0x6], $0x6000, $0x38;
	[tilespmem:$0x1E800] =	vst v63  }
0x275: {  	_ =	swait.ge [sflag:s8], $0x6000  }
0x276: {  	[sflag:s8] =	ssyncset.done $0x0  }
0x277: {  	[sflag:s8] =	ssyncadd.s32 $0xFFFFA000  }
0x278: {  	v3 =	vld [tilespmem:$0x700];
	_ =	sdelay $0x4  }
0x279: {  	v60 =	vshrl.u32 v3, $0x3  }
0x27a: {  	v4 =	vmul.u32 $0x30, v60  }
0x27b: {  	v3 =	vand.u32 $0x7, v3  }
0x27c: {  	v3 =	vor.u32 v3, v4  }
0x27d: {  	v4 =	vperm.xlane v3, v0;
	_ =	sdelay $0x1  }
0x27e: {  	v4 =	vadd.s32 v1, v4;
	_ =	sdelay $0x3  }
0x27f: {  	v3 =	vperm.xlane v3, v2  }
0x280: {  	[tilespmem:s18], [sflag:$0x5] =	stream.indirect_vreg.gather [hbm4b:s1+s3], $0x80, v4, vm0, $0xb8;
	[tilespmem:$0x1E800] =	vst v63  }
0x281: {  	s24 =	simm.s32 $0x19000;
	v3 =	vadd.s32 v1, v3  }
0x282: {  	[tilespmem:s24], [sflag:$0x5] =	stream.indirect_vreg.gather [hbm4b:s5+s3], $0x80, v4, vm0, $0xb8;
	[tilespmem:$0x1E800] =	vst v63  }
0x283: {  	s26 =	simm.s32 $0x19800  }
0x284: {  	[tilespmem:s26], [sflag:$0x5] =	stream.indirect_vreg.gather [hbm4b:s6+s3], $0x80, v4, vm0, $0xb8;
	[tilespmem:$0x1E800] =	vst v63  }
0x285: {  	s14 =	simm.s32 $0x1A000  }
0x286: {  	[tilespmem:s14], [sflag:$0x5] =	stream.indirect_vreg.gather [hbm4b:s1+s3], $0x80, v3, vm0, $0xb8;
	[tilespmem:$0x1E800] =	vst v63  }
0x287: {  	s24 =	simm.s32 $0x1A800  }
0x288: {  	[tilespmem:s24], [sflag:$0x5] =	stream.indirect_vreg.gather [hbm4b:s5+s3], $0x80, v3, vm0, $0xb8;
	[tilespmem:$0x1E800] =	vst v63  }
0x289: {  	s26 =	simm.s32 $0x1B000  }
0x28a: {  	[tilespmem:s26], [sflag:$0x5] =	stream.indirect_vreg.gather [hbm4b:s6+s3], $0x80, v3, vm0, $0xb8;
	[tilespmem:$0x1E800] =	vst v63  }
0x28b: {  	v3 =	vld [tilespmem:$0x710];
	_ =	sdelay $0x4  }
0x28c: {  	v61 =	vshrl.u32 v3, $0x3  }
0x28d: {  	v4 =	vmul.u32 $0x30, v61  }
0x28e: {  	v3 =	vand.u32 $0x7, v3  }
0x28f: {  	v3 =	vor.u32 v3, v4  }
0x290: {  	v4 =	vperm.xlane v3, v0;
	_ =	sdelay $0x1  }
0x291: {  	v4 =	vadd.s32 v1, v4;
	_ =	sdelay $0x3  }
0x292: {  	s14 =	simm.s32 $0x1B800;
	v3 =	vperm.xlane v3, v2  }
0x293: {  	[tilespmem:s14], [sflag:$0x5] =	stream.indirect_vreg.gather [hbm4b:s1+s3], $0x80, v4, vm0, $0xb8;
	[tilespmem:$0x1E800] =	vst v63  }
0x294: {  	s24 =	simm.s32 $0x1C000;
	v3 =	vadd.s32 v1, v3  }
0x295: {  	[tilespmem:s24], [sflag:$0x5] =	stream.indirect_vreg.gather [hbm4b:s5+s3], $0x80, v4, vm0, $0xb8;
	[tilespmem:$0x1E800] =	vst v63  }
0x296: {  	s26 =	simm.s32 $0x1C800  }
0x297: {  	[tilespmem:s26], [sflag:$0x5] =	stream.indirect_vreg.gather [hbm4b:s6+s3], $0x80, v4, vm0, $0xb8;
	[tilespmem:$0x1E800] =	vst v63  }
0x298: {  	s14 =	simm.s32 $0x1D000  }
0x299: {  	[tilespmem:s14], [sflag:$0x5] =	stream.indirect_vreg.gather [hbm4b:s1+s3], $0x80, v3, vm0, $0xb8;
	[tilespmem:$0x1E800] =	vst v63  }
0x29a: {  	s24 =	simm.s32 $0x1D800  }
0x29b: {  	[tilespmem:s24], [sflag:$0x5] =	stream.indirect_vreg.gather [hbm4b:s5+s3], $0x80, v3, vm0, $0xb8;
	[tilespmem:$0x1E800] =	vst v63  }
0x29c: {  	s26 =	simm.s32 $0x1E000  }
0x29d: {  	[tilespmem:s26], [sflag:$0x5] =	stream.indirect_vreg.gather [hbm4b:s6+s3], $0x80, v3, vm0, $0xb8;
	[tilespmem:$0x1E800] =	vst v63  }
0x29e: {  	_ =	swait.ge [sflag:s28], $0x6000  }
0x29f: {  	[sflag:s28] =	ssyncset.done $0x0  }
0x2a0: {  	s14 =	rddreg [dreg:$0xe];
	[sflag:s28] =	ssyncadd.s32 $0xFFFFA000  }
0x2a1: {  	[hbm4b:s14+s3] =	stream.linear.scatter [tilespmem:s19], [sflag:$0x6], $0x6000, $0x38;
	[tilespmem:$0x1E800] =	vst v63  }
0x2a2: {  	_ =	swait.ge [sflag:s8], $0x6000  }
0x2a3: {  	[sflag:s8] =	ssyncset.done $0x0  }
0x2a4: {  	[sflag:s8] =	ssyncadd.s32 $0xFFFFA000  }
0x2a5: {  	v3 =	vld [tilespmem:$0x780];
	_ =	sdelay $0x4  }
0x2a6: {  	v62 =	vshrl.u32 v3, $0x3  }
0x2a7: {  	v4 =	vmul.u32 $0x30, v62  }
0x2a8: {  	v3 =	vand.u32 $0x7, v3  }
0x2a9: {  	v3 =	vor.u32 v3, v4  }
0x2aa: {  	v4 =	vperm.xlane v3, v0;
	_ =	sdelay $0x1  }
0x2ab: {  	v4 =	vadd.s32 v1, v4;
	_ =	sdelay $0x3  }
0x2ac: {  	v3 =	vperm.xlane v3, v2  }
0x2ad: {  	[tilespmem:s19], [sflag:$0x1] =	stream.indirect_vreg.gather [hbm4b:s1+s3], $0x80, v4, vm0, $0xb8;
	[tilespmem:$0x1E800] =	vst v63  }
0x2ae: {  	s12 =	simm.s32 $0x1000;
	v3 =	vadd.s32 v1, v3  }
0x2af: {  	[tilespmem:s12], [sflag:$0x1] =	stream.indirect_vreg.gather [hbm4b:s5+s3], $0x80, v4, vm0, $0xb8;
	[tilespmem:$0x1E800] =	vst v63  }
0x2b0: {  	s17 =	simm.s32 $0x1800  }
0x2b1: {  	[tilespmem:s17], [sflag:$0x1] =	stream.indirect_vreg.gather [hbm4b:s6+s3], $0x80, v4, vm0, $0xb8;
	[tilespmem:$0x1E800] =	vst v63  }
0x2b2: {  	s11 =	simm.s32 $0x2000  }
0x2b3: {  	[tilespmem:s11], [sflag:$0x1] =	stream.indirect_vreg.gather [hbm4b:s1+s3], $0x80, v3, vm0, $0xb8;
	[tilespmem:$0x1E800] =	vst v63  }
0x2b4: {  	s20 =	simm.s32 $0x2800  }
0x2b5: {  	[tilespmem:s20], [sflag:$0x1] =	stream.indirect_vreg.gather [hbm4b:s5+s3], $0x80, v3, vm0, $0xb8;
	[tilespmem:$0x1E800] =	vst v63  }
0x2b6: {  	s21 =	simm.s32 $0x3000  }
0x2b7: {  	[tilespmem:s21], [sflag:$0x1] =	stream.indirect_vreg.gather [hbm4b:s6+s3], $0x80, v3, vm0, $0xb8;
	[tilespmem:$0x1E800] =	vst v63  }
0x2b8: {  	v3 =	vld [tilespmem:$0x790];
	_ =	sdelay $0x4  }
0x2b9: {  	v63 =	vshrl.u32 v3, $0x3  }
0x2ba: {  	v4 =	vmul.u32 $0x30, v63  }
0x2bb: {  	v3 =	vand.u32 $0x7, v3  }
0x2bc: {  	v3 =	vor.u32 v3, v4  }
0x2bd: {  	v4 =	vperm.xlane v3, v0;
	_ =	sdelay $0x1  }
0x2be: {  	v4 =	vadd.s32 v1, v4;
	_ =	sdelay $0x3  }
0x2bf: {  	s23 =	simm.s32 $0x3800;
	v3 =	vperm.xlane v3, v2  }
0x2c0: {  	[tilespmem:s23], [sflag:$0x1] =	stream.indirect_vreg.gather [hbm4b:s1+s3], $0x80, v4, vm0, $0xb8;
	[tilespmem:$0x1E800] =	vst v63  }
0x2c1: {  	s13 =	simm.s32 $0x4000;
	v3 =	vadd.s32 v1, v3  }
0x2c2: {  	[tilespmem:s13], [sflag:$0x1] =	stream.indirect_vreg.gather [hbm4b:s5+s3], $0x80, v4, vm0, $0xb8;
	[tilespmem:$0x1E800] =	vst v63  }
0x2c3: {  	s15 =	simm.s32 $0x4800  }
0x2c4: {  	[tilespmem:s15], [sflag:$0x1] =	stream.indirect_vreg.gather [hbm4b:s6+s3], $0x80, v4, vm0, $0xb8;
	[tilespmem:$0x1E800] =	vst v63  }
0x2c5: {  	s16 =	simm.s32 $0x5000  }
0x2c6: {  	[tilespmem:s16], [sflag:$0x1] =	stream.indirect_vreg.gather [hbm4b:s1+s3], $0x80, v3, vm0, $0xb8;
	[tilespmem:$0x1E800] =	vst v63  }
0x2c7: {  	s25 =	simm.s32 $0x5800  }
0x2c8: {  	[tilespmem:s25], [sflag:$0x1] =	stream.indirect_vreg.gather [hbm4b:s5+s3], $0x80, v3, vm0, $0xb8;
	[tilespmem:$0x1E800] =	vst v63  }
0x2c9: {  	s10 =	simm.s32 $0x6000  }
0x2ca: {  	[tilespmem:s10], [sflag:$0x1] =	stream.indirect_vreg.gather [hbm4b:s6+s3], $0x80, v3, vm0, $0xb8;
	[tilespmem:$0x1E800] =	vst v63  }
0x2cb: {  	_ =	swait.ge [sflag:s29], $0x6000  }
0x2cc: {  	[sflag:s29] =	ssyncset.done $0x0  }
0x2cd: {  	s21 =	rddreg [dreg:$0xf];
	[sflag:s29] =	ssyncadd.s32 $0xFFFFA000  }
0x2ce: {  	[hbm4b:s21+s3] =	stream.linear.scatter [tilespmem:s4], [sflag:$0x6], $0x6000, $0x38;
	[tilespmem:$0x1E800] =	vst v63  }
0x2cf: {  	_ =	swait.ge [sflag:s8], $0x6000  }
0x2d0: {  	[sflag:s8] =	ssyncset.done $0x0  }
0x2d1: {  	[sflag:s8] =	ssyncadd.s32 $0xFFFFA000  }
0x2d2: {  	_ =	swait.ge [sflag:s30], $0x6000  }
0x2d3: {  	[sflag:s30] =	ssyncset.done $0x0  }
0x2d4: {  	s23 =	rddreg [dreg:$0x10];
	[sflag:s30] =	ssyncadd.s32 $0xFFFFA000  }
0x2d5: {  	[hbm4b:s23+s3] =	stream.linear.scatter [tilespmem:s22], [sflag:$0x6], $0x6000, $0x38;
	[tilespmem:$0x1E800] =	vst v63  }
0x2d6: {  	_ =	swait.ge [sflag:s8], $0x6000  }
0x2d7: {  	[sflag:s8] =	ssyncset.done $0x0  }
0x2d8: {  	[sflag:s8] =	ssyncadd.s32 $0xFFFFA000  }
0x2d9: {  	_ =	swait.ge [sflag:s31], $0x6000  }
0x2da: {  	[sflag:s31] =	ssyncset.done $0x0  }
0x2db: {  	s24 =	rddreg [dreg:$0x11];
	[sflag:s31] =	ssyncadd.s32 $0xFFFFA000  }
0x2dc: {  	[hbm4b:s24+s3] =	stream.linear.scatter [tilespmem:s9], [sflag:$0x6], $0x6000, $0x38;
	[tilespmem:$0x1E800] =	vst v63  }
0x2dd: {  	_ =	swait.ge [sflag:s8], $0x6000  }
0x2de: {  	[sflag:s8] =	ssyncset.done $0x0  }
0x2df: {  	[sflag:s8] =	ssyncadd.s32 $0xFFFFA000  }
0x2e0: {  	_ =	swait.ge [sflag:s2], $0x6000  }
0x2e1: {  	[sflag:s2] =	ssyncset.done $0x0  }
0x2e2: {  	s25 =	rddreg [dreg:$0x12];
	[sflag:s2] =	ssyncadd.s32 $0xFFFFA000  }
0x2e3: {  	[hbm4b:s25+s3] =	stream.linear.scatter [tilespmem:s18], [sflag:$0x6], $0x6000, $0x38;
	[tilespmem:$0x1E800] =	vst v63  }
0x2e4: {  	_ =	swait.ge [sflag:s8], $0x6000  }
0x2e5: {  	[sflag:s8] =	ssyncset.done $0x0  }
0x2e6: {  	[sflag:s8] =	ssyncadd.s32 $0xFFFFA000  }
0x2e7: {  	_ =	swait.ge [sflag:s28], $0x6000  }
0x2e8: {  	p0 =	sne.s32 s7, $0x1;
	[sflag:s28] =	ssyncset.done $0x0  }
.Ltmp0:
0x2e9: {  	s26 =	rddreg [dreg:$0x13];
	[sflag:s28] =	ssyncadd.s32 $0xFFFFA000;
	(pc) =	sbr.rel @p0 .LBB2_1-.Ltmp0, $4  }
0x2ea: {  	[hbm4b:s26+s3] =	stream.linear.scatter [tilespmem:s19], [sflag:$0x6], $0x6000, $0x38;
	[tilespmem:$0x1E800] =	vst v63  }
0x2eb: {  	_ =	swait.ge [sflag:s8], $0x6000  }
0x2ec: {  	[sflag:s8] =	ssyncset.done $0x0  }
0x2ed: {  	s7 =	sadd.s32 $0xFFFFFFFF, s7;
	[sflag:s8] =	ssyncadd.s32 $0xFFFFA000  }
0x2ee: {  	_ =	sfence.sel $0x180000  }
0x2ef: {  	[bflag:$0x0] =	sbarrier.arrive $0xFFFF  }
0x2f0: {  	_ =	strace $0x90000047  }
0x2f1: {  	s0 =	stileid.u32;
	[bflag:$0x2] =	sbarrier.arrive $0xFFFF  }
0x2f2: {  	p0 =	sne.s32 s0, $0x0;
	s0 =	rddreg [dreg:$0x3]  }
0x2f3: {  	s0 =	sadd.s32 @!p0 $0x100000, s0  }
0x2f4: {  	[sflag:s0] =	ssyncadd.tile.s32 @!p0 $0x1;
	_ =	shalt  }
.Lfunc_end2:
_tile_overlayer_lowered:
.L_overlay_start_2:
0x2f5: {  	(tag) =	ssettag $0x2  }
0x2f6: {  	s0 =	rddreg [dreg:$0x0];
	s2 =	stileid.u32  }
0x2f7: {  	s1 =	rddreg [dreg:$0x1];
	p0 =	sne.s32 s2, $0x0  }
0x2f8: {  	s3 =	rddreg [dreg:$0x2];
	[bflag:$0x3] =	sbarrier.arrive $0xFFFF;
	s2 =	simm.s32 @!p0 $0x1C06  }
0x2f9: {  	[timem:s3], [sflag:s2] =	dma.local @!p0 [hbm:s0], s1  }
0x2fa: {  	s0 =	simm.s32 @!p0 $0x6  }
0x2fb: {  	_ =	swait.ge @!p0 [sflag:s0], s1  }
0x2fc: {  	s1 =	ssub.s32 @!p0 $0x0, s1;
	[sflag:s0] =	ssyncset.done @!p0 $0x0  }
0x2fd: {  	[sflag:s0] =	ssyncadd.s32 @!p0 s1  }
0x2fe: {  	[bflag:$0x3] =	sbarrier.arrive $0xFFFF  }
0x2ff: {  	_ =	shalt  }

</sc_bundles>
